<compile_context>
chip_gen: v7x
topology: tpu7x:2x2x1
jax: 0.10.2.dev20260603
libtpu: 0.0.44.dev20260713+nightly
codegen_flags: <defaults>
</compile_context>

<pallas_src>
import functools

import jax
import jax.numpy as jnp
from jax.experimental import pallas as pl
from jax.experimental.pallas import tpu as pltpu
from jax.experimental.pallas import tpu_sc as plsc

_NSEL = 300
_TW = 128
_BOX0 = 96


def _pack_body(logit_ref, box_ref, rm_ref, tab_ref):
    n = logit_ref.shape[1]
    p = jax.nn.sigmoid(logit_ref[0])
    rm_ref[0, 0, :] = jnp.max(p, axis=-1)
    bx = box_ref[0]
    xyxy = jnp.concatenate(
        [bx[:, :2] - 0.5 * bx[:, 2:], bx[:, :2] + 0.5 * bx[:, 2:]], axis=1)
    c = p.shape[1]
    tab_ref[...] = jnp.concatenate(
        [p, jnp.zeros((n, _BOX0 - c), p.dtype), xyxy,
         jnp.zeros((n, _TW - _BOX0 - 4), p.dtype)], axis=1)


def _pack_and_rowmax(pred_logits, pred_boxes, chunk=2000):
    B, N, C = pred_logits.shape
    g = N // chunk
    rm, tab = pl.pallas_call(
        _pack_body,
        grid=(B, g),
        in_specs=[
            pl.BlockSpec((1, chunk, C), lambda b, j: (b, j, 0)),
            pl.BlockSpec((1, chunk, 4), lambda b, j: (b, j, 0)),
        ],
        out_specs=[
            pl.BlockSpec((1, 1, chunk), lambda b, j: (b * g + j, 0, 0)),
            pl.BlockSpec((chunk, _TW), lambda b, j: (b * g + j, 0)),
        ],
        out_shape=[
            jax.ShapeDtypeStruct((B * g, 1, chunk), pred_logits.dtype),
            jax.ShapeDtypeStruct((B * N, _TW), pred_logits.dtype),
        ],
    )(pred_logits, pred_boxes)
    return rm.reshape(B, N), tab


def _sc_gather(table, idx):
    info = plsc.get_sparse_core_info()
    nc, ns = info.num_cores, info.num_subcores
    r = idx.shape[0] // (nc * ns)

    @functools.partial(
        pl.kernel,
        out_type=jax.ShapeDtypeStruct((idx.shape[0], _TW), jnp.float32),
        mesh=plsc.VectorSubcoreMesh(core_axis_name="c", subcore_axis_name="s"),
        scratch_types=[
            pltpu.VMEM((r,), jnp.int32),
            pltpu.VMEM((r, _TW), jnp.float32),
            pltpu.SemaphoreType.DMA,
        ],
    )
    def gk(tab_hbm, idx_hbm, out, idx_v, rows_v, sem):
        wid = jax.lax.axis_index("s") * nc + jax.lax.axis_index("c")
        base = wid * r
        pltpu.sync_copy(idx_hbm.at[pl.ds(base, r)], idx_v)
        pltpu.async_copy(tab_hbm.at[idx_v], rows_v, sem).wait()
        pltpu.sync_copy(rows_v, out.at[pl.ds(base, r)])

    return gk(table, idx)


def kernel(pred_logits, pred_boxes, target_sizes):
    B, N, C = pred_logits.shape
    row_max, table = _pack_and_rowmax(pred_logits, pred_boxes)

    g1 = row_max.reshape(B, N // 10, 10)
    _, grp = jax.lax.top_k(g1.max(axis=-1), _NSEL)
    grp = jnp.sort(grp, axis=-1)
    cand_rm = jnp.take_along_axis(g1, grp[:, :, None], axis=1).reshape(B, _NSEL * 10)
    _, p1 = jax.lax.top_k(cand_rm, _NSEL)
    rows = jnp.take_along_axis(grp, p1 // 10, axis=1) * 10 + p1 % 10
    rows = jnp.sort(rows, axis=-1)

    gidx = (rows + N * jnp.arange(B, dtype=rows.dtype)[:, None]).reshape(-1)
    rem = gidx.shape[0] % (8 * 32)
    if rem:
        gidx = jnp.concatenate(
            [gidx, jnp.zeros((8 * 32 - rem,), gidx.dtype)])
    g = _sc_gather(table, gidx)[: B * _NSEL].reshape(B, _NSEL, _TW)

    cand = g[:, :, :C].reshape(B, _NSEL * C)
    g2 = cand.reshape(B, _NSEL * C // 13, 13)
    _, blk = jax.lax.top_k(g2.max(axis=-1), _NSEL)
    blk = jnp.sort(blk, axis=-1)
    cand2 = jnp.take_along_axis(g2, blk[:, :, None], axis=1).reshape(B, _NSEL * 13)
    scores, p2 = jax.lax.top_k(cand2, _NSEL)
    pos = jnp.take_along_axis(blk, p2 // 13, axis=1) * 13 + p2 % 13
    labels = pos % C
    slot = pos // C

    xyxy = jnp.take_along_axis(
        g[:, :, _BOX0:_BOX0 + 4], slot[:, :, None], axis=1)
    img_h = target_sizes[:, 0].astype(jnp.float32)
    img_w = target_sizes[:, 1].astype(jnp.float32)
    scale = jnp.stack([img_w, img_h, img_w, img_h], axis=1)
    boxes = xyxy * scale[:, None, :]
    return boxes, scores, labels

# --- scband reference (transcript-rebuilt; emitter-appended) ---
"""Pipeline reference for scband-detr-post-process-48627619726086 (READ-ONLY COPY).

The authoritative reference and input builder live on the scoring server;
editing this copy changes nothing except your own understanding.
"""

import jax, jax.numpy as jnp
import numpy as np

NUM_SELECT = 300


def box_cxcywh_to_xyxy(b):
    cx, cy, w, h = b[..., 0], b[..., 1], b[..., 2], b[..., 3]
    return jnp.stack([cx - 0.5 * w, cy - 0.5 * h, cx + 0.5 * w, cy + 0.5 * h], axis=-1)


def setup_inputs(seed: int = 0) -> dict:
    key = jax.random.key(seed)
    k1, k2, k3 = jax.random.split(key, 3)
    pred_logits = jax.random.normal(k1, (8, 20000, 91), dtype=jnp.float32)
    pred_boxes = jax.random.uniform(k2, (8, 20000, 4), dtype=jnp.float32)
    target_sizes = jax.random.randint(k3, (8, 2), 0, 1333, dtype=jnp.int32)
    return {"pred_logits": pred_logits, "pred_boxes": pred_boxes, "target_sizes": target_sizes}


def reference(pred_logits, pred_boxes, target_sizes):
    B, N, C = pred_logits.shape
    # num_select branch of DetrPostProcess.forward
    prob = jax.nn.sigmoid(pred_logits)
    topk_values, topk_indexes = jax.lax.top_k(prob.reshape(B, N * C), NUM_SELECT)
    scores = topk_values
    topk_boxes = topk_indexes // C
    labels = topk_indexes % C
    boxes = box_cxcywh_to_xyxy(pred_boxes)
    boxes = jnp.take_along_axis(boxes, topk_boxes[:, :, None], axis=1)
    img_h = target_sizes[:, 0].astype(jnp.float32)
    img_w = target_sizes[:, 1].astype(jnp.float32)
    scale_fct = jnp.stack([img_w, img_h, img_w, img_h], axis=1)
    boxes = boxes * scale_fct[:, None, :]
    return boxes, scores, labels

if __name__ == "__main__":
    import jax
    _d = setup_inputs()
    print(jax.jit(kernel)(*tuple(_d.values())))

</pallas_src>

<mosaic_0001>
#map = affine_map<(d0, d1) -> (0, 0)>
#map1 = affine_map<(d0, d1) -> (0)>
module attributes {stable_mosaic.version = 14 : i64} {
  func.func @gk(%arg0: i32, %arg1: i32, %arg2: memref<160000x128xf32, #tpu.memory_space<hbm>>, %arg3: memref<2560xi32, #tpu.memory_space<hbm>>, %arg4: memref<2560x128xf32, #tpu.memory_space<hbm>>, %arg5: memref<80xi32, #tpu.memory_space<vmem>>, %arg6: memref<80x128xf32, #tpu.memory_space<vmem>>, %arg7: memref<!tpu.dma_semaphore, #tpu.memory_space<semaphore_mem>>) attributes {dimension_semantics = [#tpu.dimension_semantics<core_parallel>, #tpu.dimension_semantics<subcore_parallel>], iteration_bounds = array<i64: 2, 16>, scalar_prefetch = 0 : i64, scratch_operands = 3 : i64, tpu.core_type = #tpu.core_type<sc_vector_subcore>, window_params = [{transform_indices = #map}, {transform_indices = #map1}, {transform_indices = #map}]} {
    %mul3A = arith.constant 2 : i32
    %mul3A_0 = arith.muli %arg1, %mul3A : i32
    %add3A = arith.addi %mul3A_0, %arg0 : i32
    %mul3A_1 = arith.constant 80 : i32
    %mul3A_2 = arith.muli %add3A, %mul3A_1 : i32
    "tpu.region"() ({
      %run_scoped3A = tpu.sem_alloc : memref<!tpu.dma_semaphore, #tpu.memory_space<semaphore_mem>>
      %dma_start3A_7 = tpu.memref_slice %arg3[%mul3A_2] : memref<2560xi32, #tpu.memory_space<hbm>> -> memref<80xi32, #tpu.memory_space<hbm>>
      %dma_start3A_8 = tpu.memref_slice %arg3[%mul3A_2] : memref<2560xi32, #tpu.memory_space<hbm>> -> memref<80xi32, #tpu.memory_space<hbm>>
      tpu.enqueue_dma source(%dma_start3A_8 : memref<80xi32, #tpu.memory_space<hbm>>) target(%arg5 : memref<80xi32, #tpu.memory_space<vmem>>) target_semaphore(%run_scoped3A : memref<!tpu.dma_semaphore, #tpu.memory_space<semaphore_mem>>)
      %dma_wait3A_9 = tpu.memref_slice %arg3[%mul3A_2] : memref<2560xi32, #tpu.memory_space<hbm>> -> memref<80xi32, #tpu.memory_space<hbm>>
      %dma_wait3A_10 = tpu.memref_slice %arg3[%mul3A_2] : memref<2560xi32, #tpu.memory_space<hbm>> -> memref<80xi32, #tpu.memory_space<hbm>>
      tpu.wait_dma2 semaphore(%run_scoped3A : memref<!tpu.dma_semaphore, #tpu.memory_space<semaphore_mem>>) src(%dma_wait3A_10 : memref<80xi32, #tpu.memory_space<hbm>>) dst(%arg5 : memref<80xi32, #tpu.memory_space<vmem>>)
      tpu.yield
    }) : () -> ()
    %dma_start3A = arith.constant 0 : i32
    %dma_start3A_3 = arith.constant 0 : i32
    %dma_start3A_4 = tpu.memref_slice %arg2[%dma_start3A, %dma_start3A_3] : memref<160000x128xf32, #tpu.memory_space<hbm>> -> memref<160000x128xf32, #tpu.memory_space<hbm>>
    tpu.enqueue_indirect_dma source(%dma_start3A_4 : memref<160000x128xf32, #tpu.memory_space<hbm>>) target(%arg6 : memref<80x128xf32, #tpu.memory_space<vmem>>) offsets(%arg5 : memref<80xi32, #tpu.memory_space<vmem>>) semaphore(%arg7 : memref<!tpu.dma_semaphore, #tpu.memory_space<semaphore_mem>>)
    %dma_wait3A = arith.constant 0 : i32
    %dma_wait3A_5 = arith.constant 0 : i32
    %dma_wait3A_6 = tpu.memref_slice %arg2[%dma_wait3A, %dma_wait3A_5] : memref<160000x128xf32, #tpu.memory_space<hbm>> -> memref<160000x128xf32, #tpu.memory_space<hbm>>
    tpu.wait_indirect_dma semaphore(%arg7 : memref<!tpu.dma_semaphore, #tpu.memory_space<semaphore_mem>>) src(%dma_wait3A_6 : memref<160000x128xf32, #tpu.memory_space<hbm>>) dst(%arg6 : memref<80x128xf32, #tpu.memory_space<vmem>>)
    "tpu.region"() ({
      %run_scoped3A = tpu.sem_alloc : memref<!tpu.dma_semaphore, #tpu.memory_space<semaphore_mem>>
      %dma_start3A_7 = arith.constant 0 : i32
      %dma_start3A_8 = tpu.memref_slice %arg4[%mul3A_2, %dma_start3A_7] : memref<2560x128xf32, #tpu.memory_space<hbm>> -> memref<80x128xf32, #tpu.memory_space<hbm>>
      %dma_start3A_9 = arith.constant 0 : i32
      %dma_start3A_10 = tpu.memref_slice %arg4[%mul3A_2, %dma_start3A_9] : memref<2560x128xf32, #tpu.memory_space<hbm>> -> memref<80x128xf32, #tpu.memory_space<hbm>>
      tpu.enqueue_dma source(%arg6 : memref<80x128xf32, #tpu.memory_space<vmem>>) target(%dma_start3A_10 : memref<80x128xf32, #tpu.memory_space<hbm>>) target_semaphore(%run_scoped3A : memref<!tpu.dma_semaphore, #tpu.memory_space<semaphore_mem>>)
      %dma_wait3A_11 = arith.constant 0 : i32
      %dma_wait3A_12 = tpu.memref_slice %arg4[%mul3A_2, %dma_wait3A_11] : memref<2560x128xf32, #tpu.memory_space<hbm>> -> memref<80x128xf32, #tpu.memory_space<hbm>>
      %dma_wait3A_13 = arith.constant 0 : i32
      %dma_wait3A_14 = tpu.memref_slice %arg4[%mul3A_2, %dma_wait3A_13] : memref<2560x128xf32, #tpu.memory_space<hbm>> -> memref<80x128xf32, #tpu.memory_space<hbm>>
      tpu.wait_dma2 semaphore(%run_scoped3A : memref<!tpu.dma_semaphore, #tpu.memory_space<semaphore_mem>>) src(%arg6 : memref<80x128xf32, #tpu.memory_space<vmem>>) dst(%dma_wait3A_14 : memref<80x128xf32, #tpu.memory_space<hbm>>)
      tpu.yield
    }) : () -> ()
    return
  }
}

module attributes {stable_mosaic.version = 14 : i64} {
  func.func @_pack_body(%arg0: i32, %arg1: i32, %arg2: memref<1x2000x91xf32, #tpu.memory_space<vmem>>, %arg3: memref<1x2000x4xf32, #tpu.memory_space<vmem>>, %arg4: memref<1x1x2000xf32, #tpu.memory_space<vmem>>, %arg5: memref<2000x128xf32, #tpu.memory_space<vmem>>) attributes {dimension_semantics = [#tpu.dimension_semantics<arbitrary>, #tpu.dimension_semantics<arbitrary>], iteration_bounds = array<i64: 8, 10>, scalar_prefetch = 0 : i64, scratch_operands = 0 : i64, tpu.core_type = #tpu.core_type<tc>, window_params = [{transform_indices = @transform_0, window_bounds = array<i64: 1, 2000, 91>}, {transform_indices = @transform_1, window_bounds = array<i64: 1, 2000, 4>}, {transform_indices = @transform_2, window_bounds = array<i64: 1, 1, 2000>}, {transform_indices = @transform_3, window_bounds = array<i64: 2000, 128>}]} {
    %get3A = arith.constant 0 : index
    %get3A_0 = arith.constant 0 : index
    %get3A_1 = arith.constant 0 : index
    %get3A_2 = vector.load %arg2[%get3A, %get3A_0, %get3A_1] : memref<1x2000x91xf32, #tpu.memory_space<vmem>>, vector<1x2000x91xf32>
    %get3A_3 = vector.shape_cast %get3A_2 : vector<1x2000x91xf32> to vector<2000x91xf32>
    %logistic3A = arith.negf %get3A_3 : vector<2000x91xf32>
    %logistic3A_4 = math.exp %logistic3A : vector<2000x91xf32>
    %logistic3A_5 = arith.constant 1.000000e+00 : f32
    %logistic3A_6 = vector.broadcast %logistic3A_5 : f32 to vector<2000x91xf32>
    %logistic3A_7 = arith.addf %logistic3A_6, %logistic3A_4 : vector<2000x91xf32>
    %logistic3A_8 = arith.divf %logistic3A_6, %logistic3A_7 : vector<2000x91xf32>
    %reduce_max3A = arith.constant dense<0xFF800000> : vector<2000xf32>
    %reduce_max3A_9 = vector.multi_reduction <maximumf>, %logistic3A_8, %reduce_max3A [1] : vector<2000x91xf32> to vector<2000xf32>
    %swap3A = arith.constant 0 : index
    %swap3A_10 = arith.constant 0 : index
    %swap3A_11 = arith.constant 0 : index
    %swap3A_12 = vector.load %arg4[%swap3A, %swap3A_10, %swap3A_11] : memref<1x1x2000xf32, #tpu.memory_space<vmem>>, vector<1x1x2000xf32>
    %swap3A_13 = vector.shape_cast %swap3A_12 : vector<1x1x2000xf32> to vector<2000xf32>
    %swap3A_14 = vector.shape_cast %reduce_max3A_9 : vector<2000xf32> to vector<1x1x2000xf32>
    tpu.vector_store %arg4[%swap3A, %swap3A_10, %swap3A_11], %swap3A_14 {strides = array<i32>} : memref<1x1x2000xf32, #tpu.memory_space<vmem>>, vector<1x1x2000xf32>,
    %get3A_15 = arith.constant 0 : index
    %get3A_16 = arith.constant 0 : index
    %get3A_17 = arith.constant 0 : index
    %get3A_18 = vector.load %arg3[%get3A_15, %get3A_16, %get3A_17] : memref<1x2000x4xf32, #tpu.memory_space<vmem>>, vector<1x2000x4xf32>
    %get3A_19 = vector.shape_cast %get3A_18 : vector<1x2000x4xf32> to vector<2000x4xf32>
    %slice3A = vector.extract_strided_slice %get3A_19 {offsets = [0, 0], sizes = [2000, 2], strides = [1, 1]} : vector<2000x4xf32> to vector<2000x2xf32>
    %slice3A_20 = vector.extract_strided_slice %get3A_19 {offsets = [0, 2], sizes = [2000, 2], strides = [1, 1]} : vector<2000x4xf32> to vector<2000x2xf32>
    %mul3A = arith.constant 5.000000e-01 : f32
    %mul3A_21 = vector.broadcast %mul3A : f32 to vector<2000x2xf32>
    %mul3A_22 = arith.mulf %mul3A_21, %slice3A_20 : vector<2000x2xf32>
    %sub3A = arith.subf %slice3A, %mul3A_22 : vector<2000x2xf32>
    %slice3A_23 = vector.extract_strided_slice %get3A_19 {offsets = [0, 0], sizes = [2000, 2], strides = [1, 1]} : vector<2000x4xf32> to vector<2000x2xf32>
    %slice3A_24 = vector.extract_strided_slice %get3A_19 {offsets = [0, 2], sizes = [2000, 2], strides = [1, 1]} : vector<2000x4xf32> to vector<2000x2xf32>
    %mul3A_25 = arith.constant 5.000000e-01 : f32
    %mul3A_26 = vector.broadcast %mul3A_25 : f32 to vector<2000x2xf32>
    %mul3A_27 = arith.mulf %mul3A_26, %slice3A_24 : vector<2000x2xf32>
    %add3A = arith.addf %slice3A_23, %mul3A_27 : vector<2000x2xf32>
    %concatenate3A = tpu.concatenate %sub3A, %add3A in 1 : vector<2000x2xf32>, vector<2000x2xf32> -> vector<2000x4xf32>
    %broadcast_in_dim3A = arith.constant 0.000000e+00 : f32
    %broadcast_in_dim3A_28 = vector.broadcast %broadcast_in_dim3A : f32 to vector<2000x5xf32>
    %broadcast_in_dim3A_29 = arith.constant 0.000000e+00 : f32
    %broadcast_in_dim3A_30 = vector.broadcast %broadcast_in_dim3A_29 : f32 to vector<2000x28xf32>
    %concatenate3A_31 = tpu.concatenate %logistic3A_8, %broadcast_in_dim3A_28, %concatenate3A, %broadcast_in_dim3A_30 in 1 : vector<2000x91xf32>, vector<2000x5xf32>, vector<2000x4xf32>, vector<2000x28xf32> -> vector<2000x128xf32>
    %swap3A_32 = arith.constant 0 : index
    %swap3A_33 = arith.constant 0 : index
    %swap3A_34 = vector.load %arg5[%swap3A_32, %swap3A_33] : memref<2000x128xf32, #tpu.memory_space<vmem>>, vector<2000x128xf32>
    tpu.vector_store %arg5[%swap3A_32, %swap3A_33], %concatenate3A_31 {strides = array<i32>} : memref<2000x128xf32, #tpu.memory_space<vmem>>, vector<2000x128xf32>,
    return
  }
  func.func @transform_0(%arg0: i32, %arg1: i32) -> (i32, i32, i32) {
    %c0_i32 = arith.constant 0 : i32
    %c0_i32_0 = arith.constant 0 : i32
    return %arg0, %arg1, %c0_i32 : i32, i32, i32
  }
  func.func @transform_1(%arg0: i32, %arg1: i32) -> (i32, i32, i32) {
    %c0_i32 = arith.constant 0 : i32
    %c0_i32_0 = arith.constant 0 : i32
    return %arg0, %arg1, %c0_i32 : i32, i32, i32
  }
  func.func @transform_2(%arg0: i32, %arg1: i32) -> (i32, i32, i32) {
    %mul3A = arith.constant 10 : i32
    %mul3A_0 = arith.muli %arg0, %mul3A : i32
    %add3A = arith.addi %mul3A_0, %arg1 : i32
    %c0_i32 = arith.constant 0 : i32
    %c0_i32_1 = arith.constant 0 : i32
    %c0_i32_2 = arith.constant 0 : i32
    return %add3A, %c0_i32, %c0_i32_1 : i32, i32, i32
  }
  func.func @transform_3(%arg0: i32, %arg1: i32) -> (i32, i32) {
    %mul3A = arith.constant 10 : i32
    %mul3A_0 = arith.muli %arg0, %mul3A : i32
    %add3A = arith.addi %mul3A_0, %arg1 : i32
    %c0_i32 = arith.constant 0 : i32
    %c0_i32_1 = arith.constant 0 : i32
    return %add3A, %c0_i32 : i32, i32
  }
}

</mosaic_0001>

<sc_bundles>
// kernel: gather_offload_async_start.1
scs
__scs_entry_jumppad:
0x0: {  	(pc) =	sbr.rel $0x88, $3  }
0x1: {  	(tag) =	ssettag $0x0;
	lr =	simm.s32 $0x1  }
0x2: {  	[smem:$0x3F9E] =	sst lr;
	_ =	strace $0xD0000000  }
0x3: {  	_ = 	snop  }
0x4: {  	_ = 	snop  }
0x5: {  	_ = 	snop  }
0x6: {  	_ = 	snop  }
0x7: {  	_ = 	snop  }
__scs_overlays_trampoline_lowered:
0x8: {  	[smem:$0x3FAD] =	sst s0  }
0x9: {  	[smem:$0x3FAE] =	sst s1  }
0xa: {  	[smem:$0x3FAF] =	sst s2  }
0xb: {  	[smem:$0x3FB0] =	sst s3  }
0xc: {  	[smem:$0x3FB1] =	sst s4  }
0xd: {  	[smem:$0x3FB2] =	sst s5  }
0xe: {  	[smem:$0x3FB3] =	sst s6  }
0xf: {  	[smem:$0x3FB4] =	sst s7  }
0x10: {  	[smem:$0x3FB5] =	sst s8  }
0x11: {  	[smem:$0x3FB6] =	sst s9;
	s0 =	simm.s32 @!p0 $0x0  }
0x12: {  	s1 =	sld [smem:$0x3F9C];
	s0 =	simm.s32 @p0 $0x1  }
0x13: {  	[smem:$0x3FB7] =	sst s0;
	s0 =	simm.s32 @!p1 $0x0  }
0x14: {  	s2 =	sld [smem:$0x3F9B];
	s0 =	simm.s32 @p1 $0x1  }
0x15: {  	[smem:$0x3FB8] =	sst s0;
	s0 =	simm.s32 @!p2 $0x0  }
0x16: {  	s3 =	sld [smem:$0x3FDB];
	s0 =	simm.s32 @p2 $0x1  }
0x17: {  	s4 =	simm.s32 $0x1BF5;
	[smem:$0x3FBA] =	sst s0  }
0x18: {  	s0 =	sld [smem:$0x3F9D];
	_ =	swait.ge [sflag:s4], $0x0  }
0x19: {  	s7 =	sld [smem:$0x3F9E]  }
0x1a: {  	s8 =	sadd.s32 $0xFFFFE003, lr  }
0x1b: {  	s9 =	sadd.s32 $0xFFFFFEF7, lr;
	s5 =	simm.s32 $0xFFFFFFFF;
	p2 =	slt.u32 s8, $0xFFFFF086  }
0x1c: {  	p1 =	slt.u32 s9, $0xF7A;
	s5 =	simm.s32 @!p2 $0x0  }
0x1d: {  	s5 =	simm.s32 @p1 $0x1;
	p0 =	seq.s32 s7, s2  }
0x1e: {  	s7 =	smul.u32 @!p0 $0xF7A, s2;
	p2 =	seq.s32 @!p0 s5, $0x0  }
0x1f: {  	s9 =	smul.u32 $0xF7A, s1;
	s8 =	simm.s32 @!p0 $0x1BF5;
	p2 =	por !p2, p0  }
0x20: {  	[sflag:s8] =	ssyncset.s32 @!p0 $0xFFFFF086;
	s6 =	sadd.s32 @!p0 s3, s7;
	s7 =	simm.s32 @!p0 $0x108  }
0x21: {  	s3 =	sadd.s32 s3, s9;
	s6 =	sadd.s32 @!p0 $0x88, s6;
	s7 =	simm.s32 @p2 $0x1082  }
0x22: {  	[simem:s7], [sflag:s8] =	dma.local @!p0 [hbm:s6], $0xF7A  }
0x23: {  	s9 =	sor.u32 $0xD0000000, s2;
	s6 =	simm.s32 $0x108;
	_ =	swait.ge @!p0 [sflag:s8], $0x0  }
0x24: {  	s3 =	sadd.s32 $0x88, s3;
	s6 =	simm.s32 @!p1 $0x1082;
	[sflag:s4] =	ssyncset.s32 $0xFFFFF086  }
0x25: {  	[simem:s6], [sflag:s4] =	dma.local [hbm:s3], $0xF7A  }
0x26: {  	[smem:$0x3F9E] =	sst s1;
	(tag) =	ssettag s2;
	_ =	strace s9  }
0x27: {  	s1 =	sld [smem:$0x3FAE]  }
0x28: {  	s2 =	sld [smem:$0x3FAF]  }
0x29: {  	s4 =	sld [smem:$0x3FB1]  }
0x2a: {  	p0 =	seq.s32 s5, $0x0;
	s5 =	sld [smem:$0x3FB2]  }
0x2b: {  	s6 =	sld [smem:$0x3FB3]  }
0x2c: {  	s7 =	sld [smem:$0x3FB4]  }
0x2d: {  	s3 =	simm.s32 $0x108;
	s8 =	sld [smem:$0x3FB5]  }
0x2e: {  	s3 =	simm.s32 @!p0 $0x1082;
	s9 =	sld [smem:$0x3FB6]  }
0x2f: {  	lr =	sadd.s32 s0, s3;
	s0 =	sld [smem:$0x3FAD]  }
0x30: {  	s3 =	sld [smem:$0x3FB0]  }
0x31: {  	[smem:$0x3FB9] =	sst s10  }
0x32: {  	s10 =	sld [smem:$0x3FB7];
	_ =	sdelay $0x3  }
0x33: {  	p0 =	seq.s32 s10, $0x1;
	s10 =	sld [smem:$0x3FB9];
	_ =	sdelay $0x3  }
0x34: {  	[smem:$0x3FB9] =	sst s10  }
0x35: {  	s10 =	sld [smem:$0x3FB8];
	_ =	sdelay $0x3  }
0x36: {  	p1 =	seq.s32 s10, $0x1;
	s10 =	sld [smem:$0x3FB9];
	_ =	sdelay $0x3  }
0x37: {  	[smem:$0x3FB9] =	sst s10  }
0x38: {  	s10 =	sld [smem:$0x3FBA]  }
0x39: {  	_ = 	snop;
	(pc) =	sbr.ind lr, $3  }
0x3a: {  	_ = 	snop  }
0x3b: {  	_ = 	snop  }
0x3c: {  	p2 =	seq.s32 s10, $0x1;
	s10 =	sld [smem:$0x3FB9]  }
0x3d: {  	_ =	shalt  }
0x3e: {  	_ =	shalt  }
0x3f: {  	_ =	shalt  }
0x40: {  	_ =	shalt  }
0x41: {  	_ =	shalt  }
0x42: {  	_ =	shalt  }
0x43: {  	_ =	shalt  }
0x44: {  	_ =	shalt  }
0x45: {  	_ =	shalt  }
0x46: {  	_ =	shalt  }
0x47: {  	_ =	shalt  }
0x48: {  	_ =	shalt  }
0x49: {  	_ =	shalt  }
0x4a: {  	_ =	shalt  }
0x4b: {  	_ =	shalt  }
0x4c: {  	_ =	shalt  }
0x4d: {  	_ =	shalt  }
0x4e: {  	_ =	shalt  }
0x4f: {  	_ =	shalt  }
0x50: {  	_ =	shalt  }
0x51: {  	_ =	shalt  }
0x52: {  	_ =	shalt  }
0x53: {  	_ =	shalt  }
0x54: {  	_ =	shalt  }
0x55: {  	_ =	shalt  }
0x56: {  	_ =	shalt  }
0x57: {  	_ =	shalt  }
0x58: {  	_ =	shalt  }
0x59: {  	_ =	shalt  }
0x5a: {  	_ =	shalt  }
0x5b: {  	_ =	shalt  }
0x5c: {  	_ =	shalt  }
0x5d: {  	_ =	shalt  }
0x5e: {  	_ =	shalt  }
0x5f: {  	_ =	shalt  }
0x60: {  	_ =	shalt  }
0x61: {  	_ =	shalt  }
0x62: {  	_ =	shalt  }
0x63: {  	_ =	shalt  }
0x64: {  	_ =	shalt  }
0x65: {  	_ =	shalt  }
0x66: {  	_ =	shalt  }
0x67: {  	_ =	shalt  }
0x68: {  	_ =	shalt  }
0x69: {  	_ =	shalt  }
0x6a: {  	_ =	shalt  }
0x6b: {  	_ =	shalt  }
0x6c: {  	_ =	shalt  }
0x6d: {  	_ =	shalt  }
0x6e: {  	_ =	shalt  }
0x6f: {  	_ =	shalt  }
0x70: {  	_ =	shalt  }
0x71: {  	_ =	shalt  }
0x72: {  	_ =	shalt  }
0x73: {  	_ =	shalt  }
0x74: {  	_ =	shalt  }
0x75: {  	_ =	shalt  }
0x76: {  	_ =	shalt  }
0x77: {  	_ =	shalt  }
0x78: {  	_ =	shalt  }
0x79: {  	_ =	shalt  }
0x7a: {  	_ =	shalt  }
0x7b: {  	_ =	shalt  }
0x7c: {  	_ =	shalt  }
0x7d: {  	_ =	shalt  }
0x7e: {  	_ =	shalt  }
0x7f: {  	_ =	shalt  }
0x80: {  	_ =	shalt  }
0x81: {  	_ =	shalt  }
0x82: {  	_ =	shalt  }
0x83: {  	_ =	shalt  }
0x84: {  	_ =	shalt  }
0x85: {  	_ =	shalt  }
0x86: {  	_ =	shalt  }
0x87: {  	_ =	shalt  }
.Lfunc_end0:
.L_simem_size_0:
called_computation.1_lowered:
.L_overlay_start_0:
0x88: {  	s2 =	sld [smem:$0x3FD9]  }
0x89: {  	s3 =	sld [smem:$0x3FFE];
	_ =	sdelay $0x1  }
0x8a: {  	s1 =	srdreg.scid  }
0x8b: {  	s0 =	sand.u32 $0x1, s1  }
0x8c: {  	s14 =	sshll.u32 s0, $0xA;
	s2 =	sadd.s32 s3, s2  }
0x8d: {  	s2 =	sadd.s32 s2, s14  }
0x8e: {  	[smem:$0x3FC5] =	sst s2  }
0x8f: {  	_ = 	snop  }
0x90: {  	s2 =	sld [smem:$0x3FD0];
	_ =	sdelay $0x2  }
0x91: {  	s15 =	simm.s32 $0xA;
	s4 =	simm.s32 $0x10  }
0x92: {  	[smem:s4], [sflag:s15] =	dma.local [hbm:s2], $0x1  }
0x93: {  	_ =	swait.eq [sflag:s15], $0x1  }
0x94: {  	[sflag:s15] =	ssyncset.done $0x0  }
0x95: {  	[sflag:s15] =	ssyncadd.s32 $0xFFFFFFFF  }
0x96: {  	s16 =	sld [smem:$0x11];
	(tm) =	ssettm $0x1  }
0x97: {  	s17 =	sld [smem:$0x3FFB];
	_ =	sdelay $0x3  }
0x98: {  	_ =	strace s17  }
0x99: {  	s3 =	sld [smem:$0x3FFC];
	_ =	sdelay $0x3  }
0x9a: {  	_ =	strace s3  }
0x9b: {  	s3 =	sld [smem:$0x3FFD];
	_ =	sdelay $0x3  }
0x9c: {  	_ =	strace s3  }
0x9d: {  	_ =	strace $0x8FFFFFFF  }
0x9e: {  	s18 =	sld [smem:$0x3FDB];
	_ =	sdelay $0x1  }
0x9f: {  	s19 =	simm.s32 $_scs_section_size  }
0xa0: {  	s5 =	simm.s32 $_size__tile_overlayer_lowered;
	s6 =	simm.s32 $_tile_overlayer_lowered  }
0xa1: {  	s22 =	simm.s32 $0x1BFF;
	s21 =	sshll.u32 s6, $0x1;
	s3 =	sadd.s32 s19, s18  }
0xa2: {  	s7 =	simm.s32 $0x0;
	s20 =	sshll.u32 s5, $0x1;
	s5 =	sadd.s32 s21, s3  }
0xa3: {  	[timem:s7], [sflag:s22] =	dma.local [hbm:s5], s20  }
0xa4: {  	_ =	swait.ge [sflag:s22], s20  }
0xa5: {  	s4 =	ssub.s32 $0x0, s20;
	[sflag:s22] =	ssyncset.done $0x0  }
0xa6: {  	[sflag:s22] =	ssyncadd.s32 s4;
	_ =	sdelay $0x1  }
0xa7: {  	s23 =	simm.s32 $0x1B8B  }
0xa8: {  	_ =	swait.ge [sflag:s23], $0x1  }
0xa9: {  	[sflag:s23] =	ssyncset.done $0x0  }
0xaa: {  	s25 =	simm.s32 $0x1B8E;
	s24 =	sld [smem:$0x3FFE];
	[sflag:s23] =	ssyncadd.s32 $0xFFFFFFFF  }
0xab: {  	s26 =	simm.s32 $execute0_lowered;
	[smem:$0x3FD2] =	sst s25  }
0xac: {  	s5 =	sshll.u32 s26, $0x1;
	_ =	strace $0x8000004F;
	[dreg:$0x1] =	wrdreg $0xFFFFFFFF  }
0xad: {  	s28 =	simm.s32 $_size_execute0_lowered;
	s3 =	sadd.s32 s3, s5;
	[dreg:$0x0] =	wrdreg $0x0  }
0xae: {  	s5 =	sshll.u32 s28, $0x1;
	[dreg:$0x2] =	wrdreg s3  }
0xaf: {  	[dreg:$0x3] =	wrdreg s5  }
0xb0: {  	[dreg:$0x4] =	wrdreg $0xC0  }
0xb1: {  	_ =	task [dreg:s7], $0x5FFFF  }
0xb2: {  	[dreg:$0x1] =	wrdreg $0xFFFFFFFF  }
0xb3: {  	[dreg:$0x0] =	wrdreg $0x60  }
0xb4: {  	[dreg:$0x2] =	wrdreg s24  }
0xb5: {  	[dreg:$0x3] =	wrdreg s16  }
0xb6: {  	[dreg:$0x4] =	wrdreg $0x9  }
0xb7: {  	_ =	task.clear_ibuf [dreg:s7], $0x5FFFF;
	_ =	strace $0x9000004F  }
0xb8: {  	s29 =	simm.s32 $0x9;
	_ =	strace $0x80000051  }
0xb9: {  	_ =	swait.ge [sflag:s29], $0x1  }
0xba: {  	[sflag:s29] =	ssyncadd.s32 $0xFFFFFFFF  }
0xbb: {  	_ =	strace $0x90000051  }
0xbc: {  	_ =	sfence  }
0xbd: {  	s30 =	sld [smem:$0x0];
	_ =	sdelay $0x2  }
0xbe: {  	s31 =	sshll.u32 s1, $0xD;
	s1 =	sshrl.u32 s1, $0x2  }
0xbf: {  	s3 =	sand.u32 $0x4000, s31;
	s1 =	sadd.s32 s1, s30  }
0xc0: {  	s0 =	sor.u32 s3, s0;
	s1 =	sshll.u32 s1, $0x11  }
0xc1: {  	s0 =	sor.u32 s1, s0  }
0xc2: {  	s0 =	sadd.s32 $0x8F2B, s0  }
0xc3: {  	[sflag:s0] =	ssyncadd.remote.s32 $0x1  }
0xc4: {  	_ =	sfence.sel $0xFFFF  }
0xc5: {  	[dreg:$0x0] =	wrdreg $0xFFFFFFFF;
	(pc) =	sbr.abs _section_cstart, $3  }
0xc6: {  	[dreg:$0x1] =	wrdreg $0xFFFFFFFF  }
0xc7: {  	_ =	task.clear_ibuf [dreg:s7], $0x2FFFF;
	_ =	strace $0x9FFFFFFF  }
0xc8: {  	(tm) =	ssettm $0x7FFFFFFF  }
0xc9: {  	_ =	shalt  }
tec
execute0_lowered:
.L_overlay_start_1:
0x0: {  	(tag) =	ssettag $0x1  }
0x1: {  	s0 =	srdreg.scid  }
0x2: {  	s1 =	sshll.u32 s0, $0x4  }
0x3: {  	s0 =	stileid.u32;
	s1 =	sand.u32 $0x10, s1  }
0x4: {  	s2 =	sor.u32 s0, s1  }
0x5: {  	s1 =	smin.u32 s2, $0x1C  }
0x6: {  	s1 =	sadd.s32 s2, s1  }
0x7: {  	p0 =	slt.u32 s2, $0x1C;
	s2 =	simm.s32 $0x50;
	s1 =	smul.u32 $0x28, s1  }
0x8: {  	s2 =	simm.s32 @!p0 $0x28  }
0x9: {  	s2 =	sadd.s32 s2, s1  }
0xa: {  	s3 =	smin.u32 s2, $0x960  }
0xb: {  	s7 =	ssub.s32 s3, s1  }
0xc: {  	p0 =	sgt.s32 s7, $0x0  }
0xd: {  	s7 =	simm.s32 @!p0 $0x0  }
0xe: {  	s4 =	rddreg [dreg:$0x0];
	s31 =	smul.u32 $0xCCCD, s7  }
0xf: {  	s5 =	rddreg [dreg:$0x1]  }
0x10: {  	s6 =	simm.s32 $0x1;
	s10 =	simm.s32 $0x3;
	s8 =	sshrl.u32 s31, $0x15  }
0x11: {  	s13 =	simm.s32 $0x0;
	s12 =	simm.s32 $0x0;
	s9 =	smul.u32 $0x28, s8  }
.Ltmp0:
0x12: {  	s11 =	smov.u32 s1;
	s2 =	rddreg [dreg:$0x2];
	(pc) =	sbr.rel .LBB2_1-.Ltmp0, $4  }
0x13: {  	_ =	strace $0x80000050;
	p0 =	sne.s32 s7, s9;
	s9 =	simm.s32 $0x1  }
0x14: {  	[sflag:s6] =	ssyncpa.u1 $0x0;
	s7 =	simm.s32 $0x2;
	s9 =	simm.s32 @!p0 $0x0  }
0x15: {  	[sflag:s7] =	ssyncpa.u1 $0x0;
	p0 =	por $0x0, $0x0;
	s8 =	sadd.s32 s8, s9  }
0x16: {  	vm0 =	vmmov $0xff;
	vm1 =	vcmask $0x3F20;
	s9 =	sadd.s32 $0x41A00, s4;
	[sflag:s10] =	ssyncpa.u1 $0x0;
	s10 =	sadd.s32 $0x1, s8  }
.LBB2_6:
0x17: {  	[hbm:s17] =	stream.linear.scatter [tilespmem:s14], [sflag:$0x3], $0x400, $0x38;
	[tilespmem:$0x2850] =	vst v63  }
.LBB2_7:
0x18: {  	s13 =	sadd.s32 $0x28, s11  }
0x19: {  	s15 =	smov.u32 s1;
	p2 =	slt.s32 s13, s3  }
0x1a: {  	s15 =	smov.u32 @p2 s13;
	p2 =	sne.s32 s12, s10  }
.Ltmp1:
0x1b: {  	p1 =	slt.u32 s12, $0x2;
	(pc) =	sbr.rel @!p2 .LBB2_8-.Ltmp1, $4  }
0x1c: {  	s14 =	simm.s32 @!p1 $0x3  }
0x1d: {  	s16 =	sadd.s32 $0x1, s12;
	_ =	swait.ge @!p1 [sflag:s14], $0x1400  }
0x1e: {  	p0 =	por !p0, !p0;
	s13 =	smov.u32 s11;
	[sflag:s14] =	ssyncset.done @!p1 $0x0  }
0x1f: {  	s12 =	smov.u32 s16;
	s11 =	smov.u32 s15;
	[sflag:s14] =	ssyncadd.s32 @!p1 $0xFFFFEC00  }
.LBB2_1:
0x20: {  	p1 =	sge.u32 s12, s8  }
0x21: {  	s14 =	sxor.u32 @!p1 $0xFFFFFFFF, s12  }
0x22: {  	s14 =	sand.u32 @!p1 $0x1, s14  }
0x23: {  	s14 =	smul.u32 @!p1 $0xA0, s14  }
0x24: {  	s31 =	sadd.s32 $0xFFFFFFFF, s12;
	s15 =	sshrl.u32 @!p1 s11, $0x3  }
0x25: {  	s16 =	sand.u32 @!p1 $0x7, s11;
	s15 =	sadd.s32 @!p1 s5, s15;
	s14 =	sshrl.u32 @!p1 s14, $0x2  }
0x26: {  	[tilespmem:s14], [sflag:$0x2] =	stream.linear.gather @!p1 [hbm4b:s15+s16], $0x28, $0x38;
	[tilespmem:$0x2850] =	vst v63  }
0x27: {  	p1 =	sge.u32 s31, s8  }
.Ltmp2:
0x28: {  	_ = 	snop;
	(pc) =	sbr.rel @p1 .LBB2_7-.Ltmp2, $1  }
0x29: {  	_ =	sdelay $0x3  }
0x2a: {  	s15 =	sand.u32 $0x1, s12  }
0x2b: {  	s14 =	simm.s32 $0x1;
	s16 =	smul.u32 $0xA0, s15  }
0x2c: {  	s14 =	simm.s32 @!p0 $0x0;
	s15 =	smul.u32 $0x5000, s15  }
0x2d: {  	_ =	swait.ge [sflag:s7], $0x28;
	s14 =	smul.u32 $0x5000, s14  }
0x2e: {  	s18 =	simm.s32 $0x0;
	p1 =	por $0x1, $0x1;
	[sflag:s7] =	ssyncset.done $0x0  }
0x2f: {  	[sflag:s7] =	ssyncadd.s32 $0xFFFFFFD8;
	s15 =	sshrl.u32 s15, $0x2;
	s14 =	sshrl.u32 s14, $0x2  }
0x30: {  	s16 =	sshrl.u32 s16, $0x2;
	s17 =	sor.u32 $0x50, s15;
	s14 =	sor.u32 $0x50, s14  }
.LBB2_3:
0x31: {  	s19 =	sshll.u32 s18, $0x4  }
0x32: {  	s19 =	sand.u32 $0x3FFFFFF0, s19  }
0x33: {  	s19 =	sadd.s32 s19, s16  }
0x34: {  	v0 =	vld.msk [tilespmem:s19+$0x0 ss:$0x1], $0xffff;
	_ =	sdelay $0x4  }
0x35: {  	vm2 =	veq.s32 v0, $0x80000000;
	v1 =	vand.u32 $0x7, v0;
	v0 =	vshll.u32 v0, $0x7  }
0x36: {  	v1 =	vsel vm2, $0xFFFFFFFF, v1;
	v0 =	vand.u32 $0x3FFC00, v0  }
0x37: {  	v0 =	vsel vm2, $0xFFFFFC00, v0;
	v2 =	vand.u32 $0xFFFFFC00, v1;
	v1 =	vshll.u32 v1, $0x7  }
0x38: {  	v0 =	vadd.s32 v2, v0;
	v1 =	vand.u32 $0x380, v1  }
0x39: {  	v0 =	vor.u32 v1, v0  }
0x3a: {  	v0 =	vshrl.u32 v0, $0x3;
	_ =	sdelay $0x1  }
0x3b: {  	s31 =	sshll.u32 s18, $0xB  }
0x3c: {  	p2 =	por p1, p1;
	s18 =	sand.u32 $0x3FFFF800, s31  }
.Ltmp3:
0x3d: {  	s18 =	sadd.s32 s18, s17;
	(pc) =	sbr.rel @p2 .LBB2_3-.Ltmp3, $4  }
0x3e: {  	[tilespmem:s18], [sflag:$0x1] =	stream.indirect_vreg.gather [hbm:s4], $0x80, v0, vm0, $0x38;
	[tilespmem:$0x2850] =	vst v63  }
0x3f: {  	s18 =	sadd.s32 $0x400, s18  }
0x40: {  	[tilespmem:s18], [sflag:$0x1] =	stream.indirect_vreg.gather [hbm:s4], $0x80, v0, vm1, $0x38;
	[tilespmem:$0x2850] =	vst v63  }
0x41: {  	p1 =	por $0x0, $0x0;
	s18 =	simm.s32 $0x1  }
0x42: {  	v0 =	vld.msk [tilespmem:s16+$0x20 ss:$0x1], $0xff;
	_ =	sdelay $0x4  }
0x43: {  	vm2 =	veq.s32 v0, $0x80000000;
	v1 =	vand.u32 $0x7, v0;
	v0 =	vshll.u32 v0, $0x7  }
0x44: {  	v1 =	vsel vm2, $0xFFFFFFFF, v1;
	v0 =	vand.u32 $0x3FFC00, v0  }
0x45: {  	v0 =	vsel vm2, $0xFFFFFC00, v0;
	v2 =	vand.u32 $0xFFFFFC00, v1;
	v1 =	vshll.u32 v1, $0x7  }
0x46: {  	v0 =	vadd.s32 v2, v0;
	v1 =	vand.u32 $0x380, v1  }
0x47: {  	v0 =	vor.u32 v1, v0  }
0x48: {  	v0 =	vshrl.u32 v0, $0x3;
	_ =	sdelay $0x3  }
0x49: {  	s15 =	sadd.s32 $0x1050, s15  }
0x4a: {  	[tilespmem:s15], [sflag:$0x1] =	stream.indirect_vreg.gather [hbm:s4], $0x80, v0, vm0, $0x38;
	[tilespmem:$0x2850] =	vst v63  }
0x4b: {  	s13 =	sshll.u32 s13, $0x4;
	_ =	swait.ge [sflag:s6], $0x1400  }
0x4c: {  	s16 =	sadd.s32 $0x400, s14;
	s13 =	sadd.s32 s13, s9;
	[sflag:s6] =	ssyncset.done $0x0  }
0x4d: {  	s17 =	sadd.s32 $0x0, s13;
	s15 =	simm.s32 $0x80;
	[sflag:s6] =	ssyncadd.s32 $0xFFFFEC00  }
.LBB2_5:
0x4e: {  	[hbm:s17] =	stream.linear.scatter [tilespmem:s14], [sflag:$0x3], $0x400, $0x38;
	[tilespmem:$0x2850] =	vst v63  }
0x4f: {  	s17 =	smov.u32 s15;
	s14 =	smov.u32 s16;
	p1 =	sne.s32 s15, $0x200  }
.Ltmp4:
0x50: {  	s15 =	sadd.s32 $0x80, s15;
	(pc) =	sbr.rel @p1 .LBB2_5-.Ltmp4, $2  }
0x51: {  	_ =	sdelay $0x2  }
0x52: {  	s16 =	sadd.s32 $0x400, s16;
	s17 =	sadd.s32 s17, s13  }
.Ltmp5:
0x53: {  	_ = 	snop;
	(pc) =	sbr.rel .LBB2_6-.Ltmp5, $1  }
0x54: {  	_ =	sdelay $0x3  }
.LBB2_8:
0x55: {  	_ =	sfence.sel $0x180000  }
0x56: {  	s1 =	simm.s32 $0x2;
	[bflag:$0x0] =	sbarrier.arrive $0xFFFF  }
0x57: {  	s30 =	simm.s32 $0x3;
	[sflag:s1] =	ssyncpa.u1 $0x1  }
0x58: {  	s31 =	simm.s32 $0x1;
	[sflag:s30] =	ssyncpa.u1 $0x1  }
0x59: {  	[sflag:s31] =	ssyncpa.u1 $0x1  }
0x5a: {  	p0 =	sne.s32 s0, $0x0;
	_ =	strace $0x90000050  }
0x5b: {  	s0 =	sadd.s32 @!p0 $0x100000, s2;
	[bflag:$0x2] =	sbarrier.arrive $0xFFFF  }
0x5c: {  	[sflag:s0] =	ssyncadd.tile.s32 @!p0 $0x1;
	_ =	shalt  }
.Lfunc_end2:
_tile_overlayer_lowered:
.L_overlay_start_2:
0x5d: {  	(tag) =	ssettag $0x2  }
0x5e: {  	s0 =	rddreg [dreg:$0x0];
	s2 =	stileid.u32  }
0x5f: {  	s1 =	rddreg [dreg:$0x1];
	p0 =	sne.s32 s2, $0x0  }
0x60: {  	s3 =	rddreg [dreg:$0x2];
	[bflag:$0x3] =	sbarrier.arrive $0xFFFF;
	s2 =	simm.s32 @!p0 $0x1C01  }
0x61: {  	[timem:s3], [sflag:s2] =	dma.local @!p0 [hbm:s0], s1  }
0x62: {  	s0 =	simm.s32 @!p0 $0x1  }
0x63: {  	_ =	swait.ge @!p0 [sflag:s0], s1  }
0x64: {  	s1 =	ssub.s32 @!p0 $0x0, s1;
	[sflag:s0] =	ssyncset.done @!p0 $0x0  }
0x65: {  	[sflag:s0] =	ssyncadd.s32 @!p0 s1  }
0x66: {  	[bflag:$0x3] =	sbarrier.arrive $0xFFFF  }
0x67: {  	_ =	shalt  }

// kernel: gather_offload_async_start.2
scs
__scs_entry_jumppad:
0x0: {  	(pc) =	sbr.rel $0x88, $3  }
0x1: {  	(tag) =	ssettag $0x0;
	lr =	simm.s32 $0x1  }
0x2: {  	[smem:$0x3F9E] =	sst lr;
	_ =	strace $0xD0000000  }
0x3: {  	_ = 	snop  }
0x4: {  	_ = 	snop  }
0x5: {  	_ = 	snop  }
0x6: {  	_ = 	snop  }
0x7: {  	_ = 	snop  }
__scs_overlays_trampoline_lowered:
0x8: {  	[smem:$0x3FAD] =	sst s0  }
0x9: {  	[smem:$0x3FAE] =	sst s1  }
0xa: {  	[smem:$0x3FAF] =	sst s2  }
0xb: {  	[smem:$0x3FB0] =	sst s3  }
0xc: {  	[smem:$0x3FB1] =	sst s4  }
0xd: {  	[smem:$0x3FB2] =	sst s5  }
0xe: {  	[smem:$0x3FB3] =	sst s6  }
0xf: {  	[smem:$0x3FB4] =	sst s7  }
0x10: {  	[smem:$0x3FB5] =	sst s8  }
0x11: {  	[smem:$0x3FB6] =	sst s9;
	s0 =	simm.s32 @!p0 $0x0  }
0x12: {  	s1 =	sld [smem:$0x3F9C];
	s0 =	simm.s32 @p0 $0x1  }
0x13: {  	[smem:$0x3FB7] =	sst s0;
	s0 =	simm.s32 @!p1 $0x0  }
0x14: {  	s2 =	sld [smem:$0x3F9B];
	s0 =	simm.s32 @p1 $0x1  }
0x15: {  	[smem:$0x3FB8] =	sst s0;
	s0 =	simm.s32 @!p2 $0x0  }
0x16: {  	s3 =	sld [smem:$0x3FDB];
	s0 =	simm.s32 @p2 $0x1  }
0x17: {  	s4 =	simm.s32 $0x1BF5;
	[smem:$0x3FBA] =	sst s0  }
0x18: {  	s0 =	sld [smem:$0x3F9D];
	_ =	swait.ge [sflag:s4], $0x0  }
0x19: {  	s7 =	sld [smem:$0x3F9E]  }
0x1a: {  	s8 =	sadd.s32 $0xFFFFE003, lr  }
0x1b: {  	s9 =	sadd.s32 $0xFFFFFEF7, lr;
	s5 =	simm.s32 $0xFFFFFFFF;
	p2 =	slt.u32 s8, $0xFFFFF086  }
0x1c: {  	p1 =	slt.u32 s9, $0xF7A;
	s5 =	simm.s32 @!p2 $0x0  }
0x1d: {  	s5 =	simm.s32 @p1 $0x1;
	p0 =	seq.s32 s7, s2  }
0x1e: {  	s7 =	smul.u32 @!p0 $0xF7A, s2;
	p2 =	seq.s32 @!p0 s5, $0x0  }
0x1f: {  	s9 =	smul.u32 $0xF7A, s1;
	s8 =	simm.s32 @!p0 $0x1BF5;
	p2 =	por !p2, p0  }
0x20: {  	[sflag:s8] =	ssyncset.s32 @!p0 $0xFFFFF086;
	s6 =	sadd.s32 @!p0 s3, s7;
	s7 =	simm.s32 @!p0 $0x108  }
0x21: {  	s3 =	sadd.s32 s3, s9;
	s6 =	sadd.s32 @!p0 $0x88, s6;
	s7 =	simm.s32 @p2 $0x1082  }
0x22: {  	[simem:s7], [sflag:s8] =	dma.local @!p0 [hbm:s6], $0xF7A  }
0x23: {  	s9 =	sor.u32 $0xD0000000, s2;
	s6 =	simm.s32 $0x108;
	_ =	swait.ge @!p0 [sflag:s8], $0x0  }
0x24: {  	s3 =	sadd.s32 $0x88, s3;
	s6 =	simm.s32 @!p1 $0x1082;
	[sflag:s4] =	ssyncset.s32 $0xFFFFF086  }
0x25: {  	[simem:s6], [sflag:s4] =	dma.local [hbm:s3], $0xF7A  }
0x26: {  	[smem:$0x3F9E] =	sst s1;
	(tag) =	ssettag s2;
	_ =	strace s9  }
0x27: {  	s1 =	sld [smem:$0x3FAE]  }
0x28: {  	s2 =	sld [smem:$0x3FAF]  }
0x29: {  	s4 =	sld [smem:$0x3FB1]  }
0x2a: {  	p0 =	seq.s32 s5, $0x0;
	s5 =	sld [smem:$0x3FB2]  }
0x2b: {  	s6 =	sld [smem:$0x3FB3]  }
0x2c: {  	s7 =	sld [smem:$0x3FB4]  }
0x2d: {  	s3 =	simm.s32 $0x108;
	s8 =	sld [smem:$0x3FB5]  }
0x2e: {  	s3 =	simm.s32 @!p0 $0x1082;
	s9 =	sld [smem:$0x3FB6]  }
0x2f: {  	lr =	sadd.s32 s0, s3;
	s0 =	sld [smem:$0x3FAD]  }
0x30: {  	s3 =	sld [smem:$0x3FB0]  }
0x31: {  	[smem:$0x3FB9] =	sst s10  }
0x32: {  	s10 =	sld [smem:$0x3FB7];
	_ =	sdelay $0x3  }
0x33: {  	p0 =	seq.s32 s10, $0x1;
	s10 =	sld [smem:$0x3FB9];
	_ =	sdelay $0x3  }
0x34: {  	[smem:$0x3FB9] =	sst s10  }
0x35: {  	s10 =	sld [smem:$0x3FB8];
	_ =	sdelay $0x3  }
0x36: {  	p1 =	seq.s32 s10, $0x1;
	s10 =	sld [smem:$0x3FB9];
	_ =	sdelay $0x3  }
0x37: {  	[smem:$0x3FB9] =	sst s10  }
0x38: {  	s10 =	sld [smem:$0x3FBA]  }
0x39: {  	_ = 	snop;
	(pc) =	sbr.ind lr, $3  }
0x3a: {  	_ = 	snop  }
0x3b: {  	_ = 	snop  }
0x3c: {  	p2 =	seq.s32 s10, $0x1;
	s10 =	sld [smem:$0x3FB9]  }
0x3d: {  	_ =	shalt  }
0x3e: {  	_ =	shalt  }
0x3f: {  	_ =	shalt  }
0x40: {  	_ =	shalt  }
0x41: {  	_ =	shalt  }
0x42: {  	_ =	shalt  }
0x43: {  	_ =	shalt  }
0x44: {  	_ =	shalt  }
0x45: {  	_ =	shalt  }
0x46: {  	_ =	shalt  }
0x47: {  	_ =	shalt  }
0x48: {  	_ =	shalt  }
0x49: {  	_ =	shalt  }
0x4a: {  	_ =	shalt  }
0x4b: {  	_ =	shalt  }
0x4c: {  	_ =	shalt  }
0x4d: {  	_ =	shalt  }
0x4e: {  	_ =	shalt  }
0x4f: {  	_ =	shalt  }
0x50: {  	_ =	shalt  }
0x51: {  	_ =	shalt  }
0x52: {  	_ =	shalt  }
0x53: {  	_ =	shalt  }
0x54: {  	_ =	shalt  }
0x55: {  	_ =	shalt  }
0x56: {  	_ =	shalt  }
0x57: {  	_ =	shalt  }
0x58: {  	_ =	shalt  }
0x59: {  	_ =	shalt  }
0x5a: {  	_ =	shalt  }
0x5b: {  	_ =	shalt  }
0x5c: {  	_ =	shalt  }
0x5d: {  	_ =	shalt  }
0x5e: {  	_ =	shalt  }
0x5f: {  	_ =	shalt  }
0x60: {  	_ =	shalt  }
0x61: {  	_ =	shalt  }
0x62: {  	_ =	shalt  }
0x63: {  	_ =	shalt  }
0x64: {  	_ =	shalt  }
0x65: {  	_ =	shalt  }
0x66: {  	_ =	shalt  }
0x67: {  	_ =	shalt  }
0x68: {  	_ =	shalt  }
0x69: {  	_ =	shalt  }
0x6a: {  	_ =	shalt  }
0x6b: {  	_ =	shalt  }
0x6c: {  	_ =	shalt  }
0x6d: {  	_ =	shalt  }
0x6e: {  	_ =	shalt  }
0x6f: {  	_ =	shalt  }
0x70: {  	_ =	shalt  }
0x71: {  	_ =	shalt  }
0x72: {  	_ =	shalt  }
0x73: {  	_ =	shalt  }
0x74: {  	_ =	shalt  }
0x75: {  	_ =	shalt  }
0x76: {  	_ =	shalt  }
0x77: {  	_ =	shalt  }
0x78: {  	_ =	shalt  }
0x79: {  	_ =	shalt  }
0x7a: {  	_ =	shalt  }
0x7b: {  	_ =	shalt  }
0x7c: {  	_ =	shalt  }
0x7d: {  	_ =	shalt  }
0x7e: {  	_ =	shalt  }
0x7f: {  	_ =	shalt  }
0x80: {  	_ =	shalt  }
0x81: {  	_ =	shalt  }
0x82: {  	_ =	shalt  }
0x83: {  	_ =	shalt  }
0x84: {  	_ =	shalt  }
0x85: {  	_ =	shalt  }
0x86: {  	_ =	shalt  }
0x87: {  	_ =	shalt  }
.Lfunc_end0:
.L_simem_size_0:
called_computation.2_lowered:
.L_overlay_start_0:
0x88: {  	s2 =	sld [smem:$0x3FD9]  }
0x89: {  	s3 =	sld [smem:$0x3FFE];
	_ =	sdelay $0x1  }
0x8a: {  	s1 =	srdreg.scid  }
0x8b: {  	s0 =	sand.u32 $0x1, s1  }
0x8c: {  	s14 =	sshll.u32 s0, $0xA;
	s2 =	sadd.s32 s3, s2  }
0x8d: {  	s2 =	sadd.s32 s2, s14  }
0x8e: {  	[smem:$0x3FC5] =	sst s2  }
0x8f: {  	_ = 	snop  }
0x90: {  	s2 =	sld [smem:$0x3FD0];
	_ =	sdelay $0x2  }
0x91: {  	s15 =	simm.s32 $0xA;
	s4 =	simm.s32 $0x10  }
0x92: {  	[smem:s4], [sflag:s15] =	dma.local [hbm:s2], $0x1  }
0x93: {  	_ =	swait.eq [sflag:s15], $0x1  }
0x94: {  	[sflag:s15] =	ssyncset.done $0x0  }
0x95: {  	[sflag:s15] =	ssyncadd.s32 $0xFFFFFFFF  }
0x96: {  	s16 =	sld [smem:$0x10];
	(tm) =	ssettm $0x1  }
0x97: {  	s17 =	sld [smem:$0x3FFB];
	_ =	sdelay $0x3  }
0x98: {  	_ =	strace s17  }
0x99: {  	s3 =	sld [smem:$0x3FFC];
	_ =	sdelay $0x3  }
0x9a: {  	_ =	strace s3  }
0x9b: {  	s3 =	sld [smem:$0x3FFD];
	_ =	sdelay $0x3  }
0x9c: {  	_ =	strace s3  }
0x9d: {  	_ =	strace $0x8FFFFFFF  }
0x9e: {  	s18 =	sld [smem:$0x3FDB];
	_ =	sdelay $0x1  }
0x9f: {  	s19 =	simm.s32 $_scs_section_size  }
0xa0: {  	s5 =	simm.s32 $_size__tile_overlayer_lowered;
	s6 =	simm.s32 $_tile_overlayer_lowered  }
0xa1: {  	s22 =	simm.s32 $0x1BFF;
	s21 =	sshll.u32 s6, $0x1;
	s3 =	sadd.s32 s19, s18  }
0xa2: {  	s7 =	simm.s32 $0x0;
	s20 =	sshll.u32 s5, $0x1;
	s5 =	sadd.s32 s21, s3  }
0xa3: {  	[timem:s7], [sflag:s22] =	dma.local [hbm:s5], s20  }
0xa4: {  	_ =	swait.ge [sflag:s22], s20  }
0xa5: {  	s4 =	ssub.s32 $0x0, s20;
	[sflag:s22] =	ssyncset.done $0x0  }
0xa6: {  	[sflag:s22] =	ssyncadd.s32 s4;
	_ =	sdelay $0x1  }
0xa7: {  	s23 =	simm.s32 $0x1B8B  }
0xa8: {  	_ =	swait.ge [sflag:s23], $0x1  }
0xa9: {  	[sflag:s23] =	ssyncset.done $0x0  }
0xaa: {  	s25 =	simm.s32 $0x1B8E;
	s24 =	sld [smem:$0x3FFE];
	[sflag:s23] =	ssyncadd.s32 $0xFFFFFFFF  }
0xab: {  	s26 =	simm.s32 $execute0_lowered;
	[smem:$0x3FD2] =	sst s25  }
0xac: {  	s5 =	sshll.u32 s26, $0x1;
	_ =	strace $0x80000055;
	[dreg:$0x1] =	wrdreg $0xFFFFFFFF  }
0xad: {  	s28 =	simm.s32 $_size_execute0_lowered;
	s3 =	sadd.s32 s3, s5;
	[dreg:$0x0] =	wrdreg $0x0  }
0xae: {  	s5 =	sshll.u32 s28, $0x1;
	[dreg:$0x2] =	wrdreg s3  }
0xaf: {  	[dreg:$0x3] =	wrdreg s5  }
0xb0: {  	[dreg:$0x4] =	wrdreg $0xC0  }
0xb1: {  	_ =	task [dreg:s7], $0x5FFFF  }
0xb2: {  	[dreg:$0x1] =	wrdreg $0xFFFFFFFF  }
0xb3: {  	[dreg:$0x0] =	wrdreg $0x60  }
0xb4: {  	[dreg:$0x2] =	wrdreg s24  }
0xb5: {  	[dreg:$0x3] =	wrdreg s16  }
0xb6: {  	[dreg:$0x4] =	wrdreg $0x9  }
0xb7: {  	_ =	task.clear_ibuf [dreg:s7], $0x5FFFF;
	_ =	strace $0x90000055  }
0xb8: {  	s29 =	simm.s32 $0x9;
	_ =	strace $0x80000057  }
0xb9: {  	_ =	swait.ge [sflag:s29], $0x1  }
0xba: {  	[sflag:s29] =	ssyncadd.s32 $0xFFFFFFFF  }
0xbb: {  	_ =	strace $0x90000057  }
0xbc: {  	_ =	sfence  }
0xbd: {  	s30 =	sld [smem:$0x0];
	_ =	sdelay $0x2  }
0xbe: {  	s31 =	sshll.u32 s1, $0xD;
	s1 =	sshrl.u32 s1, $0x2  }
0xbf: {  	s3 =	sand.u32 $0x4000, s31;
	s1 =	sadd.s32 s1, s30  }
0xc0: {  	s0 =	sor.u32 s3, s0;
	s1 =	sshll.u32 s1, $0x11  }
0xc1: {  	s0 =	sor.u32 s1, s0  }
0xc2: {  	s0 =	sadd.s32 $0x8F2B, s0  }
0xc3: {  	[sflag:s0] =	ssyncadd.remote.s32 $0x1  }
0xc4: {  	_ =	sfence.sel $0xFFFF  }
0xc5: {  	[dreg:$0x0] =	wrdreg $0xFFFFFFFF;
	(pc) =	sbr.abs _section_cstart, $3  }
0xc6: {  	[dreg:$0x1] =	wrdreg $0xFFFFFFFF  }
0xc7: {  	_ =	task.clear_ibuf [dreg:s7], $0x2FFFF;
	_ =	strace $0x9FFFFFFF  }
0xc8: {  	(tm) =	ssettm $0x7FFFFFFF  }
0xc9: {  	_ =	shalt  }
tec
execute0_lowered:
.L_overlay_start_1:
0x0: {  	(tag) =	ssettag $0x1  }
0x1: {  	s0 =	srdreg.scid  }
0x2: {  	s1 =	sshll.u32 s0, $0x4  }
0x3: {  	s0 =	stileid.u32;
	s1 =	sand.u32 $0x10, s1  }
0x4: {  	s2 =	sor.u32 s0, s1  }
0x5: {  	s1 =	smin.u32 s2, $0x1C  }
0x6: {  	s1 =	sadd.s32 s2, s1  }
0x7: {  	p0 =	slt.u32 s2, $0x1C;
	s2 =	simm.s32 $0x50;
	s1 =	smul.u32 $0x28, s1  }
0x8: {  	s2 =	simm.s32 @!p0 $0x28  }
0x9: {  	s2 =	sadd.s32 s2, s1  }
0xa: {  	s3 =	smin.u32 s2, $0x960  }
0xb: {  	s7 =	ssub.s32 s3, s1  }
0xc: {  	p0 =	sgt.s32 s7, $0x0  }
0xd: {  	s7 =	simm.s32 @!p0 $0x0  }
0xe: {  	s4 =	rddreg [dreg:$0x0];
	s31 =	smul.u32 $0xCCCD, s7  }
0xf: {  	s5 =	rddreg [dreg:$0x1]  }
0x10: {  	s6 =	simm.s32 $0x1;
	s10 =	simm.s32 $0x3;
	s8 =	sshrl.u32 s31, $0x15  }
0x11: {  	s13 =	simm.s32 $0x0;
	s12 =	simm.s32 $0x0;
	s9 =	smul.u32 $0x28, s8  }
.Ltmp0:
0x12: {  	s11 =	smov.u32 s1;
	s2 =	rddreg [dreg:$0x2];
	(pc) =	sbr.rel .LBB2_1-.Ltmp0, $4  }
0x13: {  	_ =	strace $0x80000056;
	p0 =	sne.s32 s7, s9;
	s9 =	simm.s32 $0x1  }
0x14: {  	[sflag:s6] =	ssyncpa.u1 $0x0;
	s7 =	simm.s32 $0x2;
	s9 =	simm.s32 @!p0 $0x0  }
0x15: {  	[sflag:s7] =	ssyncpa.u1 $0x0;
	p0 =	por $0x0, $0x0;
	s8 =	sadd.s32 s8, s9  }
0x16: {  	vm0 =	vmmov $0xff;
	vm1 =	vcmask $0x3F20;
	s9 =	sadd.s32 $0x4B000, s4;
	[sflag:s10] =	ssyncpa.u1 $0x0;
	s10 =	sadd.s32 $0x1, s8  }
.LBB2_6:
0x17: {  	[hbm:s17] =	stream.linear.scatter [tilespmem:s14], [sflag:$0x3], $0x400, $0x38;
	[tilespmem:$0x2850] =	vst v63  }
.LBB2_7:
0x18: {  	s13 =	sadd.s32 $0x28, s11  }
0x19: {  	s15 =	smov.u32 s1;
	p2 =	slt.s32 s13, s3  }
0x1a: {  	s15 =	smov.u32 @p2 s13;
	p2 =	sne.s32 s12, s10  }
.Ltmp1:
0x1b: {  	p1 =	slt.u32 s12, $0x2;
	(pc) =	sbr.rel @!p2 .LBB2_8-.Ltmp1, $4  }
0x1c: {  	s14 =	simm.s32 @!p1 $0x3  }
0x1d: {  	s16 =	sadd.s32 $0x1, s12;
	_ =	swait.ge @!p1 [sflag:s14], $0x1400  }
0x1e: {  	p0 =	por !p0, !p0;
	s13 =	smov.u32 s11;
	[sflag:s14] =	ssyncset.done @!p1 $0x0  }
0x1f: {  	s12 =	smov.u32 s16;
	s11 =	smov.u32 s15;
	[sflag:s14] =	ssyncadd.s32 @!p1 $0xFFFFEC00  }
.LBB2_1:
0x20: {  	p1 =	sge.u32 s12, s8  }
0x21: {  	s14 =	sxor.u32 @!p1 $0xFFFFFFFF, s12  }
0x22: {  	s14 =	sand.u32 @!p1 $0x1, s14  }
0x23: {  	s14 =	smul.u32 @!p1 $0xA0, s14  }
0x24: {  	s31 =	sadd.s32 $0xFFFFFFFF, s12;
	s15 =	sshrl.u32 @!p1 s11, $0x3  }
0x25: {  	s16 =	sand.u32 @!p1 $0x7, s11;
	s15 =	sadd.s32 @!p1 s5, s15;
	s14 =	sshrl.u32 @!p1 s14, $0x2  }
0x26: {  	[tilespmem:s14], [sflag:$0x2] =	stream.linear.gather @!p1 [hbm4b:s15+s16], $0x28, $0x38;
	[tilespmem:$0x2850] =	vst v63  }
0x27: {  	p1 =	sge.u32 s31, s8  }
.Ltmp2:
0x28: {  	_ = 	snop;
	(pc) =	sbr.rel @p1 .LBB2_7-.Ltmp2, $1  }
0x29: {  	_ =	sdelay $0x3  }
0x2a: {  	s15 =	sand.u32 $0x1, s12  }
0x2b: {  	s14 =	simm.s32 $0x1;
	s16 =	smul.u32 $0xA0, s15  }
0x2c: {  	s14 =	simm.s32 @!p0 $0x0;
	s15 =	smul.u32 $0x5000, s15  }
0x2d: {  	_ =	swait.ge [sflag:s7], $0x28;
	s14 =	smul.u32 $0x5000, s14  }
0x2e: {  	s18 =	simm.s32 $0x0;
	p1 =	por $0x1, $0x1;
	[sflag:s7] =	ssyncset.done $0x0  }
0x2f: {  	[sflag:s7] =	ssyncadd.s32 $0xFFFFFFD8;
	s15 =	sshrl.u32 s15, $0x2;
	s14 =	sshrl.u32 s14, $0x2  }
0x30: {  	s16 =	sshrl.u32 s16, $0x2;
	s17 =	sor.u32 $0x50, s15;
	s14 =	sor.u32 $0x50, s14  }
.LBB2_3:
0x31: {  	s19 =	sshll.u32 s18, $0x4  }
0x32: {  	s19 =	sand.u32 $0x3FFFFFF0, s19  }
0x33: {  	s19 =	sadd.s32 s19, s16  }
0x34: {  	v0 =	vld.msk [tilespmem:s19+$0x0 ss:$0x1], $0xffff;
	_ =	sdelay $0x4  }
0x35: {  	vm2 =	veq.s32 v0, $0x80000000;
	v1 =	vand.u32 $0x7, v0;
	v0 =	vshll.u32 v0, $0x7  }
0x36: {  	v1 =	vsel vm2, $0xFFFFFFFF, v1;
	v0 =	vand.u32 $0x7FC00, v0  }
0x37: {  	v0 =	vsel vm2, $0xFFFFFC00, v0;
	v2 =	vand.u32 $0xFFFFFC00, v1;
	v1 =	vshll.u32 v1, $0x7  }
0x38: {  	v0 =	vadd.s32 v2, v0;
	v1 =	vand.u32 $0x380, v1  }
0x39: {  	v0 =	vor.u32 v1, v0  }
0x3a: {  	v0 =	vshrl.u32 v0, $0x3;
	_ =	sdelay $0x1  }
0x3b: {  	s31 =	sshll.u32 s18, $0xB  }
0x3c: {  	p2 =	por p1, p1;
	s18 =	sand.u32 $0x3FFFF800, s31  }
.Ltmp3:
0x3d: {  	s18 =	sadd.s32 s18, s17;
	(pc) =	sbr.rel @p2 .LBB2_3-.Ltmp3, $4  }
0x3e: {  	[tilespmem:s18], [sflag:$0x1] =	stream.indirect_vreg.gather [hbm:s9], $0x80, v0, vm0, $0x38;
	[tilespmem:$0x2850] =	vst v63  }
0x3f: {  	s18 =	sadd.s32 $0x400, s18  }
0x40: {  	[tilespmem:s18], [sflag:$0x1] =	stream.indirect_vreg.gather [hbm:s9], $0x80, v0, vm1, $0x38;
	[tilespmem:$0x2850] =	vst v63  }
0x41: {  	p1 =	por $0x0, $0x0;
	s18 =	simm.s32 $0x1  }
0x42: {  	v0 =	vld.msk [tilespmem:s16+$0x20 ss:$0x1], $0xff;
	_ =	sdelay $0x4  }
0x43: {  	vm2 =	veq.s32 v0, $0x80000000;
	v1 =	vand.u32 $0x7, v0;
	v0 =	vshll.u32 v0, $0x7  }
0x44: {  	v1 =	vsel vm2, $0xFFFFFFFF, v1;
	v0 =	vand.u32 $0x7FC00, v0  }
0x45: {  	v0 =	vsel vm2, $0xFFFFFC00, v0;
	v2 =	vand.u32 $0xFFFFFC00, v1;
	v1 =	vshll.u32 v1, $0x7  }
0x46: {  	v0 =	vadd.s32 v2, v0;
	v1 =	vand.u32 $0x380, v1  }
0x47: {  	v0 =	vor.u32 v1, v0  }
0x48: {  	v0 =	vshrl.u32 v0, $0x3;
	_ =	sdelay $0x3  }
0x49: {  	s15 =	sadd.s32 $0x1050, s15  }
0x4a: {  	[tilespmem:s15], [sflag:$0x1] =	stream.indirect_vreg.gather [hbm:s9], $0x80, v0, vm0, $0x38;
	[tilespmem:$0x2850] =	vst v63  }
0x4b: {  	s13 =	sshll.u32 s13, $0x4;
	_ =	swait.ge [sflag:s6], $0x1400  }
0x4c: {  	s16 =	sadd.s32 $0x400, s14;
	s13 =	sadd.s32 s13, s4;
	[sflag:s6] =	ssyncset.done $0x0  }
0x4d: {  	s17 =	sadd.s32 $0x0, s13;
	s15 =	simm.s32 $0x80;
	[sflag:s6] =	ssyncadd.s32 $0xFFFFEC00  }
.LBB2_5:
0x4e: {  	[hbm:s17] =	stream.linear.scatter [tilespmem:s14], [sflag:$0x3], $0x400, $0x38;
	[tilespmem:$0x2850] =	vst v63  }
0x4f: {  	s17 =	smov.u32 s15;
	s14 =	smov.u32 s16;
	p1 =	sne.s32 s15, $0x200  }
.Ltmp4:
0x50: {  	s15 =	sadd.s32 $0x80, s15;
	(pc) =	sbr.rel @p1 .LBB2_5-.Ltmp4, $2  }
0x51: {  	_ =	sdelay $0x2  }
0x52: {  	s16 =	sadd.s32 $0x400, s16;
	s17 =	sadd.s32 s17, s13  }
.Ltmp5:
0x53: {  	_ = 	snop;
	(pc) =	sbr.rel .LBB2_6-.Ltmp5, $1  }
0x54: {  	_ =	sdelay $0x3  }
.LBB2_8:
0x55: {  	_ =	sfence.sel $0x180000  }
0x56: {  	s1 =	simm.s32 $0x2;
	[bflag:$0x0] =	sbarrier.arrive $0xFFFF  }
0x57: {  	s30 =	simm.s32 $0x3;
	[sflag:s1] =	ssyncpa.u1 $0x1  }
0x58: {  	s31 =	simm.s32 $0x1;
	[sflag:s30] =	ssyncpa.u1 $0x1  }
0x59: {  	[sflag:s31] =	ssyncpa.u1 $0x1  }
0x5a: {  	p0 =	sne.s32 s0, $0x0;
	_ =	strace $0x90000056  }
0x5b: {  	s0 =	sadd.s32 @!p0 $0x100000, s2;
	[bflag:$0x2] =	sbarrier.arrive $0xFFFF  }
0x5c: {  	[sflag:s0] =	ssyncadd.tile.s32 @!p0 $0x1;
	_ =	shalt  }
.Lfunc_end2:
_tile_overlayer_lowered:
.L_overlay_start_2:
0x5d: {  	(tag) =	ssettag $0x2  }
0x5e: {  	s0 =	rddreg [dreg:$0x0];
	s2 =	stileid.u32  }
0x5f: {  	s1 =	rddreg [dreg:$0x1];
	p0 =	sne.s32 s2, $0x0  }
0x60: {  	s3 =	rddreg [dreg:$0x2];
	[bflag:$0x3] =	sbarrier.arrive $0xFFFF;
	s2 =	simm.s32 @!p0 $0x1C01  }
0x61: {  	[timem:s3], [sflag:s2] =	dma.local @!p0 [hbm:s0], s1  }
0x62: {  	s0 =	simm.s32 @!p0 $0x1  }
0x63: {  	_ =	swait.ge @!p0 [sflag:s0], s1  }
0x64: {  	s1 =	ssub.s32 @!p0 $0x0, s1;
	[sflag:s0] =	ssyncset.done @!p0 $0x0  }
0x65: {  	[sflag:s0] =	ssyncadd.s32 @!p0 s1  }
0x66: {  	[bflag:$0x3] =	sbarrier.arrive $0xFFFF  }
0x67: {  	_ =	shalt  }

// kernel: gather_offload_async_start.3
scs
__scs_entry_jumppad:
0x0: {  	(pc) =	sbr.rel $0x88, $3  }
0x1: {  	(tag) =	ssettag $0x0;
	lr =	simm.s32 $0x1  }
0x2: {  	[smem:$0x3F9E] =	sst lr;
	_ =	strace $0xD0000000  }
0x3: {  	_ = 	snop  }
0x4: {  	_ = 	snop  }
0x5: {  	_ = 	snop  }
0x6: {  	_ = 	snop  }
0x7: {  	_ = 	snop  }
__scs_overlays_trampoline_lowered:
0x8: {  	[smem:$0x3FAD] =	sst s0  }
0x9: {  	[smem:$0x3FAE] =	sst s1  }
0xa: {  	[smem:$0x3FAF] =	sst s2  }
0xb: {  	[smem:$0x3FB0] =	sst s3  }
0xc: {  	[smem:$0x3FB1] =	sst s4  }
0xd: {  	[smem:$0x3FB2] =	sst s5  }
0xe: {  	[smem:$0x3FB3] =	sst s6  }
0xf: {  	[smem:$0x3FB4] =	sst s7  }
0x10: {  	[smem:$0x3FB5] =	sst s8  }
0x11: {  	[smem:$0x3FB6] =	sst s9;
	s0 =	simm.s32 @!p0 $0x0  }
0x12: {  	s1 =	sld [smem:$0x3F9C];
	s0 =	simm.s32 @p0 $0x1  }
0x13: {  	[smem:$0x3FB7] =	sst s0;
	s0 =	simm.s32 @!p1 $0x0  }
0x14: {  	s2 =	sld [smem:$0x3F9B];
	s0 =	simm.s32 @p1 $0x1  }
0x15: {  	[smem:$0x3FB8] =	sst s0;
	s0 =	simm.s32 @!p2 $0x0  }
0x16: {  	s3 =	sld [smem:$0x3FDB];
	s0 =	simm.s32 @p2 $0x1  }
0x17: {  	s4 =	simm.s32 $0x1BF5;
	[smem:$0x3FBA] =	sst s0  }
0x18: {  	s0 =	sld [smem:$0x3F9D];
	_ =	swait.ge [sflag:s4], $0x0  }
0x19: {  	s7 =	sld [smem:$0x3F9E]  }
0x1a: {  	s8 =	sadd.s32 $0xFFFFE003, lr  }
0x1b: {  	s9 =	sadd.s32 $0xFFFFFEF7, lr;
	s5 =	simm.s32 $0xFFFFFFFF;
	p2 =	slt.u32 s8, $0xFFFFF086  }
0x1c: {  	p1 =	slt.u32 s9, $0xF7A;
	s5 =	simm.s32 @!p2 $0x0  }
0x1d: {  	s5 =	simm.s32 @p1 $0x1;
	p0 =	seq.s32 s7, s2  }
0x1e: {  	s7 =	smul.u32 @!p0 $0xF7A, s2;
	p2 =	seq.s32 @!p0 s5, $0x0  }
0x1f: {  	s9 =	smul.u32 $0xF7A, s1;
	s8 =	simm.s32 @!p0 $0x1BF5;
	p2 =	por !p2, p0  }
0x20: {  	[sflag:s8] =	ssyncset.s32 @!p0 $0xFFFFF086;
	s6 =	sadd.s32 @!p0 s3, s7;
	s7 =	simm.s32 @!p0 $0x108  }
0x21: {  	s3 =	sadd.s32 s3, s9;
	s6 =	sadd.s32 @!p0 $0x88, s6;
	s7 =	simm.s32 @p2 $0x1082  }
0x22: {  	[simem:s7], [sflag:s8] =	dma.local @!p0 [hbm:s6], $0xF7A  }
0x23: {  	s9 =	sor.u32 $0xD0000000, s2;
	s6 =	simm.s32 $0x108;
	_ =	swait.ge @!p0 [sflag:s8], $0x0  }
0x24: {  	s3 =	sadd.s32 $0x88, s3;
	s6 =	simm.s32 @!p1 $0x1082;
	[sflag:s4] =	ssyncset.s32 $0xFFFFF086  }
0x25: {  	[simem:s6], [sflag:s4] =	dma.local [hbm:s3], $0xF7A  }
0x26: {  	[smem:$0x3F9E] =	sst s1;
	(tag) =	ssettag s2;
	_ =	strace s9  }
0x27: {  	s1 =	sld [smem:$0x3FAE]  }
0x28: {  	s2 =	sld [smem:$0x3FAF]  }
0x29: {  	s4 =	sld [smem:$0x3FB1]  }
0x2a: {  	p0 =	seq.s32 s5, $0x0;
	s5 =	sld [smem:$0x3FB2]  }
0x2b: {  	s6 =	sld [smem:$0x3FB3]  }
0x2c: {  	s7 =	sld [smem:$0x3FB4]  }
0x2d: {  	s3 =	simm.s32 $0x108;
	s8 =	sld [smem:$0x3FB5]  }
0x2e: {  	s3 =	simm.s32 @!p0 $0x1082;
	s9 =	sld [smem:$0x3FB6]  }
0x2f: {  	lr =	sadd.s32 s0, s3;
	s0 =	sld [smem:$0x3FAD]  }
0x30: {  	s3 =	sld [smem:$0x3FB0]  }
0x31: {  	[smem:$0x3FB9] =	sst s10  }
0x32: {  	s10 =	sld [smem:$0x3FB7];
	_ =	sdelay $0x3  }
0x33: {  	p0 =	seq.s32 s10, $0x1;
	s10 =	sld [smem:$0x3FB9];
	_ =	sdelay $0x3  }
0x34: {  	[smem:$0x3FB9] =	sst s10  }
0x35: {  	s10 =	sld [smem:$0x3FB8];
	_ =	sdelay $0x3  }
0x36: {  	p1 =	seq.s32 s10, $0x1;
	s10 =	sld [smem:$0x3FB9];
	_ =	sdelay $0x3  }
0x37: {  	[smem:$0x3FB9] =	sst s10  }
0x38: {  	s10 =	sld [smem:$0x3FBA]  }
0x39: {  	_ = 	snop;
	(pc) =	sbr.ind lr, $3  }
0x3a: {  	_ = 	snop  }
0x3b: {  	_ = 	snop  }
0x3c: {  	p2 =	seq.s32 s10, $0x1;
	s10 =	sld [smem:$0x3FB9]  }
0x3d: {  	_ =	shalt  }
0x3e: {  	_ =	shalt  }
0x3f: {  	_ =	shalt  }
0x40: {  	_ =	shalt  }
0x41: {  	_ =	shalt  }
0x42: {  	_ =	shalt  }
0x43: {  	_ =	shalt  }
0x44: {  	_ =	shalt  }
0x45: {  	_ =	shalt  }
0x46: {  	_ =	shalt  }
0x47: {  	_ =	shalt  }
0x48: {  	_ =	shalt  }
0x49: {  	_ =	shalt  }
0x4a: {  	_ =	shalt  }
0x4b: {  	_ =	shalt  }
0x4c: {  	_ =	shalt  }
0x4d: {  	_ =	shalt  }
0x4e: {  	_ =	shalt  }
0x4f: {  	_ =	shalt  }
0x50: {  	_ =	shalt  }
0x51: {  	_ =	shalt  }
0x52: {  	_ =	shalt  }
0x53: {  	_ =	shalt  }
0x54: {  	_ =	shalt  }
0x55: {  	_ =	shalt  }
0x56: {  	_ =	shalt  }
0x57: {  	_ =	shalt  }
0x58: {  	_ =	shalt  }
0x59: {  	_ =	shalt  }
0x5a: {  	_ =	shalt  }
0x5b: {  	_ =	shalt  }
0x5c: {  	_ =	shalt  }
0x5d: {  	_ =	shalt  }
0x5e: {  	_ =	shalt  }
0x5f: {  	_ =	shalt  }
0x60: {  	_ =	shalt  }
0x61: {  	_ =	shalt  }
0x62: {  	_ =	shalt  }
0x63: {  	_ =	shalt  }
0x64: {  	_ =	shalt  }
0x65: {  	_ =	shalt  }
0x66: {  	_ =	shalt  }
0x67: {  	_ =	shalt  }
0x68: {  	_ =	shalt  }
0x69: {  	_ =	shalt  }
0x6a: {  	_ =	shalt  }
0x6b: {  	_ =	shalt  }
0x6c: {  	_ =	shalt  }
0x6d: {  	_ =	shalt  }
0x6e: {  	_ =	shalt  }
0x6f: {  	_ =	shalt  }
0x70: {  	_ =	shalt  }
0x71: {  	_ =	shalt  }
0x72: {  	_ =	shalt  }
0x73: {  	_ =	shalt  }
0x74: {  	_ =	shalt  }
0x75: {  	_ =	shalt  }
0x76: {  	_ =	shalt  }
0x77: {  	_ =	shalt  }
0x78: {  	_ =	shalt  }
0x79: {  	_ =	shalt  }
0x7a: {  	_ =	shalt  }
0x7b: {  	_ =	shalt  }
0x7c: {  	_ =	shalt  }
0x7d: {  	_ =	shalt  }
0x7e: {  	_ =	shalt  }
0x7f: {  	_ =	shalt  }
0x80: {  	_ =	shalt  }
0x81: {  	_ =	shalt  }
0x82: {  	_ =	shalt  }
0x83: {  	_ =	shalt  }
0x84: {  	_ =	shalt  }
0x85: {  	_ =	shalt  }
0x86: {  	_ =	shalt  }
0x87: {  	_ =	shalt  }
.Lfunc_end0:
.L_simem_size_0:
called_computation.3_lowered:
.L_overlay_start_0:
0x88: {  	s2 =	sld [smem:$0x3FD9]  }
0x89: {  	s3 =	sld [smem:$0x3FFE];
	_ =	sdelay $0x1  }
0x8a: {  	s1 =	srdreg.scid  }
0x8b: {  	s0 =	sand.u32 $0x1, s1  }
0x8c: {  	s15 =	sshll.u32 s0, $0xA;
	s2 =	sadd.s32 s3, s2  }
0x8d: {  	s2 =	sadd.s32 s2, s15  }
0x8e: {  	[smem:$0x3FC5] =	sst s2  }
0x8f: {  	_ = 	snop  }
0x90: {  	s2 =	sld [smem:$0x3FD0];
	_ =	sdelay $0x2  }
0x91: {  	s16 =	simm.s32 $0xA;
	s4 =	simm.s32 $0x10  }
0x92: {  	[smem:s4], [sflag:s16] =	dma.local [hbm:s2], $0x1  }
0x93: {  	_ =	swait.eq [sflag:s16], $0x1  }
0x94: {  	s17 =	sld [smem:$0x10];
	[sflag:s16] =	ssyncset.done $0x0  }
0x95: {  	s18 =	sld [smem:$0x11];
	[sflag:s16] =	ssyncadd.s32 $0xFFFFFFFF  }
0x96: {  	s19 =	sld [smem:$0x12];
	(tm) =	ssettm $0x1  }
0x97: {  	s5 =	sld [smem:$0x3FFB];
	_ =	sdelay $0x3  }
0x98: {  	_ =	strace s5  }
0x99: {  	s5 =	sld [smem:$0x3FFC];
	_ =	sdelay $0x3  }
0x9a: {  	_ =	strace s5  }
0x9b: {  	s5 =	sld [smem:$0x3FFD];
	_ =	sdelay $0x3  }
0x9c: {  	_ =	strace s5  }
0x9d: {  	_ =	strace $0x8FFFFFFF  }
0x9e: {  	s20 =	sld [smem:$0x3FDB];
	_ =	sdelay $0x1  }
0x9f: {  	s6 =	simm.s32 $_scs_section_size  }
0xa0: {  	s7 =	simm.s32 $_size__tile_overlayer_lowered;
	s8 =	simm.s32 $_tile_overlayer_lowered  }
0xa1: {  	s23 =	simm.s32 $0x1BFF;
	s22 =	sshll.u32 s8, $0x1;
	s5 =	sadd.s32 s6, s20  }
0xa2: {  	s9 =	simm.s32 $0x0;
	s21 =	sshll.u32 s7, $0x1;
	s7 =	sadd.s32 s22, s5  }
0xa3: {  	[timem:s9], [sflag:s23] =	dma.local [hbm:s7], s21  }
0xa4: {  	_ =	swait.ge [sflag:s23], s21  }
0xa5: {  	s6 =	ssub.s32 $0x0, s21;
	[sflag:s23] =	ssyncset.done $0x0  }
0xa6: {  	[sflag:s23] =	ssyncadd.s32 s6;
	_ =	sdelay $0x1  }
0xa7: {  	s24 =	simm.s32 $0x1B8B  }
0xa8: {  	_ =	swait.ge [sflag:s24], $0x1  }
0xa9: {  	[sflag:s24] =	ssyncset.done $0x0  }
0xaa: {  	s25 =	simm.s32 $0x1B8E;
	[sflag:s24] =	ssyncadd.s32 $0xFFFFFFFF  }
0xab: {  	s26 =	simm.s32 $execute0_lowered;
	[smem:$0x3FD2] =	sst s25  }
0xac: {  	s6 =	sshll.u32 s26, $0x1;
	_ =	strace $0x80000049;
	[dreg:$0x1] =	wrdreg $0xFFFFFFFF  }
0xad: {  	s28 =	simm.s32 $_size_execute0_lowered;
	s5 =	sadd.s32 s5, s6;
	[dreg:$0x0] =	wrdreg $0x0  }
0xae: {  	s6 =	sshll.u32 s28, $0x1;
	[dreg:$0x2] =	wrdreg s5  }
0xaf: {  	[dreg:$0x3] =	wrdreg s6  }
0xb0: {  	[dreg:$0x4] =	wrdreg $0xC0  }
0xb1: {  	_ =	task [dreg:s9], $0x5FFFF  }
0xb2: {  	[dreg:$0x1] =	wrdreg $0xFFFFFFFF  }
0xb3: {  	[dreg:$0x0] =	wrdreg $0x60  }
0xb4: {  	[dreg:$0x2] =	wrdreg s18  }
0xb5: {  	[dreg:$0x3] =	wrdreg s19  }
0xb6: {  	[dreg:$0x4] =	wrdreg s17  }
0xb7: {  	[dreg:$0x5] =	wrdreg $0x9  }
0xb8: {  	_ =	task.clear_ibuf [dreg:s9], $0x6FFFF;
	_ =	strace $0x90000049  }
0xb9: {  	s29 =	simm.s32 $0x9;
	_ =	strace $0x8000004B  }
0xba: {  	_ =	swait.ge [sflag:s29], $0x1  }
0xbb: {  	[sflag:s29] =	ssyncadd.s32 $0xFFFFFFFF  }
0xbc: {  	_ =	strace $0x9000004B  }
0xbd: {  	_ =	sfence  }
0xbe: {  	s30 =	sld [smem:$0x0];
	_ =	sdelay $0x2  }
0xbf: {  	s31 =	sshll.u32 s1, $0xD;
	s1 =	sshrl.u32 s1, $0x2  }
0xc0: {  	s3 =	sand.u32 $0x4000, s31;
	s1 =	sadd.s32 s1, s30  }
0xc1: {  	s0 =	sor.u32 s3, s0;
	s1 =	sshll.u32 s1, $0x11  }
0xc2: {  	s0 =	sor.u32 s1, s0  }
0xc3: {  	s0 =	sadd.s32 $0x8F2B, s0  }
0xc4: {  	[sflag:s0] =	ssyncadd.remote.s32 $0x1  }
0xc5: {  	_ =	sfence.sel $0xFFFF  }
0xc6: {  	[dreg:$0x0] =	wrdreg $0xFFFFFFFF;
	(pc) =	sbr.abs _section_cstart, $3  }
0xc7: {  	[dreg:$0x1] =	wrdreg $0xFFFFFFFF  }
0xc8: {  	_ =	task.clear_ibuf [dreg:s9], $0x2FFFF;
	_ =	strace $0x9FFFFFFF  }
0xc9: {  	(tm) =	ssettm $0x7FFFFFFF  }
tec
execute0_lowered:
.L_overlay_start_1:
0x0: {  	(tag) =	ssettag $0x1  }
0x1: {  	s2 =	rddreg [dreg:$0x0]  }
0x2: {  	s3 =	rddreg [dreg:$0x1]  }
0x3: {  	s4 =	rddreg [dreg:$0x2];
	s1 =	stileid.u32  }
0x4: {  	s5 =	srdreg.scid;
	s0 =	rddreg [dreg:$0x3]  }
0x5: {  	_ =	strace $0x8000004A;
	s8 =	simm.s32 $0x1;
	s9 =	simm.s32 $0x1  }
0x6: {  	s10 =	simm.s32 $0x3;
	s6 =	sand.u32 $0x1, s5;
	s7 =	sshll.u32 s1, $0x1  }
0x7: {  	s13 =	simm.s32 $0x0;
	s5 =	simm.s32 $0x1;
	s6 =	sor.u32 s7, s6  }
.Ltmp0:
0x8: {  	[sflag:s5] =	ssyncpa.u1 $0x0;
	p0 =	slt.u32 s6, $0x13;
	(pc) =	sbr.rel .LBB2_1-.Ltmp0, $4  }
0x9: {  	s7 =	simm.s32 $0x2;
	s8 =	simm.s32 @!p0 $0x0;
	p0 =	sne.s32 s6, $0x12  }
0xa: {  	[sflag:s7] =	ssyncpa.u1 $0x0;
	s6 =	smul.u32 $0x30, s6;
	s9 =	simm.s32 @!p0 $0x0  }
0xb: {  	s12 =	simm.s32 $0x0;
	[sflag:s10] =	ssyncpa.u1 $0x0;
	s8 =	sadd.s32 s9, s8  }
0xc: {  	vm0 =	vmmov $0xffff;
	s10 =	simm.s32 $0x0;
	s11 =	smov.u32 s6;
	s9 =	sadd.s32 $0x1, s8  }
.LBB2_4:
0xd: {  	v3 =	vmul.u32 $0xC00, v3;
	v4 =	vshll.u32 v1, $0x3  }
0xe: {  	v2 =	vshll.u32 v2, $0x7;
	v4 =	vand.u32 $0xFFFFFC00, v4  }
0xf: {  	v2 =	vand.u32 $0x380, v2;
	v3 =	vadd.s32 v3, v4  }
0x10: {  	v63 =	vand.u32 $0x7F, v1;
	v2 =	vor.u32 v2, v3  }
0x11: {  	v1 =	vor.u32 v63, v2;
	_ =	sdelay $0x2  }
0x12: {  	[tilespmem:s15], [sflag:$0x1] =	stream.indirect_vreg.gather [hbm4b:s2+s10], $0x1, v0, vm0, $0x4038;
	[tilespmem:$0xC0] =	vst v63  }
0x13: {  	(ifvalue) =	ssetifvalue $0x7FFFFFFF;
	s29 =	sadd.s32 $0x10, s15  }
0x14: {  	[tilespmem:s29], [sflag:$0x1] =	stream.indirect_vreg.gather [hbm4b:s2+s10], $0x1, v1, vm0, $0x4038;
	[tilespmem:$0xC0] =	vst v63  }
0x15: {  	_ =	swait.ge [sflag:s5], $0x30  }
0x16: {  	s30 =	sshrl.u32 s13, $0x3;
	[sflag:s5] =	ssyncset.done $0x0  }
0x17: {  	s31 =	sand.u32 $0x7, s13;
	s15 =	sadd.s32 s4, s30;
	[sflag:s5] =	ssyncadd.s32 $0xFFFFFFD0  }
0x18: {  	[hbm4b:s15+s31] =	stream.linear.scatter [tilespmem:s14], [sflag:$0x3], $0x30, $0x38;
	[tilespmem:$0xC0] =	vst v63  }
.LBB2_5:
0x19: {  	s15 =	sadd.s32 $0x600, s11  }
0x1a: {  	p1 =	sgt.s32 s15, $0x95F  }
0x1b: {  	s15 =	smov.u32 @p1 s6;
	p1 =	sne.s32 s12, s9  }
.Ltmp1:
0x1c: {  	p0 =	slt.u32 s12, $0x2;
	(pc) =	sbr.rel @!p1 .LBB2_6-.Ltmp1, $4  }
0x1d: {  	s14 =	simm.s32 @!p0 $0x3  }
0x1e: {  	_ =	swait.ge @!p0 [sflag:s14], $0x30  }
0x1f: {  	s16 =	sadd.s32 $0x1, s12;
	s13 =	smov.u32 s11;
	[sflag:s14] =	ssyncset.done @!p0 $0x0  }
0x20: {  	s12 =	smov.u32 s16;
	s11 =	smov.u32 s15;
	[sflag:s14] =	ssyncadd.s32 @!p0 $0xFFFFFFD0  }
.LBB2_1:
0x21: {  	p0 =	sge.u32 s12, s8  }
0x22: {  	s14 =	sxor.u32 @!p0 $0x1, s12  }
0x23: {  	s14 =	smul.u32 @!p0 $0xC0, s14  }
0x24: {  	s31 =	sadd.s32 $0xFFFFFFFF, s12;
	s15 =	sshrl.u32 @!p0 s11, $0x3  }
0x25: {  	s16 =	sand.u32 @!p0 $0x7, s11;
	s15 =	sadd.s32 @!p0 s3, s15;
	s14 =	sshra.s32 @!p0 s14, $0x2  }
0x26: {  	[tilespmem:s14], [sflag:$0x2] =	stream.linear.gather @!p0 [hbm4b:s15+s16], $0x30, $0x38;
	[tilespmem:$0xC0] =	vst v63  }
0x27: {  	p0 =	sge.u32 s31, s8  }
.Ltmp2:
0x28: {  	_ = 	snop;
	(pc) =	sbr.rel @p0 .LBB2_5-.Ltmp2, $1  }
0x29: {  	_ =	sdelay $0x3  }
0x2a: {  	s14 =	sand.u32 $0x1, s12  }
0x2b: {  	_ =	swait.ge [sflag:s7], $0x30;
	p0 =	seq.s32 s14, $0x1;
	s14 =	simm.s32 $0x30  }
0x2c: {  	[sflag:s7] =	ssyncset.done $0x0;
	s14 =	simm.s32 @!p0 $0x0  }
0x2d: {  	[sflag:s7] =	ssyncadd.s32 $0xFFFFFFD0;
	(ifvalue) =	ssetifvalue $0x7FFFFFFF;
	v0 =	vld.msk [tilespmem:s14+$0x0 ss:$0x1], $0xffff;
	_ =	sdelay $0x4  }
0x2e: {  	vm1 =	veq.s32 v0, $0x80000000;
	v1 =	vand.u32 $0x7, v0;
	v0 =	vshrl.u32 v0, $0x3  }
0x2f: {  	v1 =	vsel vm1, $0xFFFFFFFF, v1;
	v0 =	vand.u32 $0x1FF, v0  }
0x30: {  	v0 =	vsel vm1, $0xFFFFFFFF, v0;
	v2 =	vshrl.u32 v1, $0x3  }
0x31: {  	s15 =	sadd.s32 $0x10, s14;
	v2 =	vmul.u32 $0xC00, v2;
	v4 =	vshll.u32 v0, $0x3  }
0x32: {  	v3 =	vld.msk [tilespmem:s15+$0x0 ss:$0x1], $0xffff;
	v1 =	vshll.u32 v1, $0x7;
	v4 =	vand.u32 $0xFFFFFC00, v4  }
0x33: {  	v1 =	vand.u32 $0x380, v1;
	v2 =	vadd.s32 v2, v4  }
0x34: {  	v0 =	vand.u32 $0x7F, v0;
	v1 =	vor.u32 v1, v2  }
0x35: {  	v0 =	vor.u32 v0, v1;
	_ =	sdelay $0x1  }
0x36: {  	vm1 =	veq.s32 v3, $0x80000000;
	v2 =	vand.u32 $0x7, v3;
	v3 =	vshrl.u32 v3, $0x3  }
0x37: {  	s16 =	simm.s32 $0x10;
	s14 =	sadd.s32 $0x60, s14;
	v2 =	vsel vm1, $0xFFFFFFFF, v2;
	v3 =	vand.u32 $0x1FF, v3  }
0x38: {  	s17 =	sadd.s32 $0x10, s15;
	(ifvalue) =	ssetifvalue $0x7FFFFFFF;
	s15 =	smov.u32 s14;
	v1 =	vsel vm1, $0xFFFFFFFF, v3;
	v3 =	vshrl.u32 v2, $0x3  }
.LBB2_3:
0x39: {  	v4 =	vld.msk [tilespmem:s17+$0x0 ss:$0x1], $0xffff;
	v3 =	vmul.u32 $0xC00, v3;
	v5 =	vshll.u32 v1, $0x3;
	[tilespmem:s15], [sflag:$0x1] =	stream.indirect_vreg.gather [hbm4b:s2+s10], $0x1, v0, vm0, $0x4038  }
0x3a: {  	s16 =	sadd.s32 $0x10, s16;
	v2 =	vshll.u32 v2, $0x7;
	v0 =	vand.u32 $0xFFFFFC00, v5  }
0x3b: {  	p0 =	slt.u32 s16, $0x20;
	v2 =	vand.u32 $0x380, v2;
	v0 =	vadd.s32 v3, v0  }
0x3c: {  	v1 =	vand.u32 $0x7F, v1;
	v0 =	vor.u32 v2, v0  }
.Ltmp3:
0x3d: {  	v0 =	vor.u32 v1, v0;
	(pc) =	sbr.rel @p0 .LBB2_3-.Ltmp3, $4  }
0x3e: {  	_ = 	snop  }
0x3f: {  	vm1 =	veq.s32 v4, $0x80000000;
	v1 =	vand.u32 $0x7, v4;
	v3 =	vshrl.u32 v4, $0x3  }
0x40: {  	v2 =	vsel vm1, $0xFFFFFFFF, v1;
	v1 =	vand.u32 $0x1FF, v3  }
0x41: {  	s17 =	sadd.s32 $0x10, s17;
	s15 =	sadd.s32 $0x10, s15;
	v1 =	vsel vm1, $0xFFFFFFFF, v1;
	v3 =	vshrl.u32 v2, $0x3;
	(ifvalue) =	ssetifvalue $0x7FFFFFFF  }
.Ltmp4:
0x42: {  	_ = 	snop;
	(pc) =	sbr.rel .LBB2_4-.Ltmp4, $1  }
0x43: {  	_ =	sdelay $0x3  }
.LBB2_6:
0x44: {  	_ =	sfence.sel $0x180000  }
0x45: {  	s2 =	simm.s32 $0x2;
	[bflag:$0x0] =	sbarrier.arrive $0xFFFF  }
0x46: {  	s30 =	simm.s32 $0x3;
	[sflag:s2] =	ssyncpa.u1 $0x1  }
0x47: {  	s31 =	simm.s32 $0x1;
	[sflag:s30] =	ssyncpa.u1 $0x1  }
0x48: {  	[sflag:s31] =	ssyncpa.u1 $0x1  }
0x49: {  	p0 =	sne.s32 s1, $0x0;
	_ =	strace $0x9000004A  }
0x4a: {  	s0 =	sadd.s32 @!p0 $0x100000, s0;
	[bflag:$0x2] =	sbarrier.arrive $0xFFFF  }
0x4b: {  	[sflag:s0] =	ssyncadd.tile.s32 @!p0 $0x1;
	_ =	shalt  }
.Lfunc_end2:
_tile_overlayer_lowered:
.L_overlay_start_2:
0x4c: {  	(tag) =	ssettag $0x2  }
0x4d: {  	s0 =	rddreg [dreg:$0x0];
	s2 =	stileid.u32  }
0x4e: {  	s1 =	rddreg [dreg:$0x1];
	p0 =	sne.s32 s2, $0x0  }
0x4f: {  	s3 =	rddreg [dreg:$0x2];
	[bflag:$0x3] =	sbarrier.arrive $0xFFFF;
	s2 =	simm.s32 @!p0 $0x1C01  }
0x50: {  	[timem:s3], [sflag:s2] =	dma.local @!p0 [hbm:s0], s1  }
0x51: {  	s0 =	simm.s32 @!p0 $0x1  }
0x52: {  	_ =	swait.ge @!p0 [sflag:s0], s1  }
0x53: {  	s1 =	ssub.s32 @!p0 $0x0, s1;
	[sflag:s0] =	ssyncset.done @!p0 $0x0  }
0x54: {  	[sflag:s0] =	ssyncadd.s32 @!p0 s1  }
0x55: {  	[bflag:$0x3] =	sbarrier.arrive $0xFFFF  }
0x56: {  	_ =	shalt  }

// kernel: gather_offload_async_start.4
scs
__scs_entry_jumppad:
0x0: {  	(pc) =	sbr.rel $0x88, $3  }
0x1: {  	(tag) =	ssettag $0x0;
	lr =	simm.s32 $0x1  }
0x2: {  	[smem:$0x3F9E] =	sst lr;
	_ =	strace $0xD0000000  }
0x3: {  	_ = 	snop  }
0x4: {  	_ = 	snop  }
0x5: {  	_ = 	snop  }
0x6: {  	_ = 	snop  }
0x7: {  	_ = 	snop  }
__scs_overlays_trampoline_lowered:
0x8: {  	[smem:$0x3FAD] =	sst s0  }
0x9: {  	[smem:$0x3FAE] =	sst s1  }
0xa: {  	[smem:$0x3FAF] =	sst s2  }
0xb: {  	[smem:$0x3FB0] =	sst s3  }
0xc: {  	[smem:$0x3FB1] =	sst s4  }
0xd: {  	[smem:$0x3FB2] =	sst s5  }
0xe: {  	[smem:$0x3FB3] =	sst s6  }
0xf: {  	[smem:$0x3FB4] =	sst s7  }
0x10: {  	[smem:$0x3FB5] =	sst s8  }
0x11: {  	[smem:$0x3FB6] =	sst s9;
	s0 =	simm.s32 @!p0 $0x0  }
0x12: {  	s1 =	sld [smem:$0x3F9C];
	s0 =	simm.s32 @p0 $0x1  }
0x13: {  	[smem:$0x3FB7] =	sst s0;
	s0 =	simm.s32 @!p1 $0x0  }
0x14: {  	s2 =	sld [smem:$0x3F9B];
	s0 =	simm.s32 @p1 $0x1  }
0x15: {  	[smem:$0x3FB8] =	sst s0;
	s0 =	simm.s32 @!p2 $0x0  }
0x16: {  	s3 =	sld [smem:$0x3FDB];
	s0 =	simm.s32 @p2 $0x1  }
0x17: {  	s4 =	simm.s32 $0x1BF5;
	[smem:$0x3FBA] =	sst s0  }
0x18: {  	s0 =	sld [smem:$0x3F9D];
	_ =	swait.ge [sflag:s4], $0x0  }
0x19: {  	s7 =	sld [smem:$0x3F9E]  }
0x1a: {  	s8 =	sadd.s32 $0xFFFFE003, lr  }
0x1b: {  	s9 =	sadd.s32 $0xFFFFFEF7, lr;
	s5 =	simm.s32 $0xFFFFFFFF;
	p2 =	slt.u32 s8, $0xFFFFF086  }
0x1c: {  	p1 =	slt.u32 s9, $0xF7A;
	s5 =	simm.s32 @!p2 $0x0  }
0x1d: {  	s5 =	simm.s32 @p1 $0x1;
	p0 =	seq.s32 s7, s2  }
0x1e: {  	s7 =	smul.u32 @!p0 $0xF7A, s2;
	p2 =	seq.s32 @!p0 s5, $0x0  }
0x1f: {  	s9 =	smul.u32 $0xF7A, s1;
	s8 =	simm.s32 @!p0 $0x1BF5;
	p2 =	por !p2, p0  }
0x20: {  	[sflag:s8] =	ssyncset.s32 @!p0 $0xFFFFF086;
	s6 =	sadd.s32 @!p0 s3, s7;
	s7 =	simm.s32 @!p0 $0x108  }
0x21: {  	s3 =	sadd.s32 s3, s9;
	s6 =	sadd.s32 @!p0 $0x88, s6;
	s7 =	simm.s32 @p2 $0x1082  }
0x22: {  	[simem:s7], [sflag:s8] =	dma.local @!p0 [hbm:s6], $0xF7A  }
0x23: {  	s9 =	sor.u32 $0xD0000000, s2;
	s6 =	simm.s32 $0x108;
	_ =	swait.ge @!p0 [sflag:s8], $0x0  }
0x24: {  	s3 =	sadd.s32 $0x88, s3;
	s6 =	simm.s32 @!p1 $0x1082;
	[sflag:s4] =	ssyncset.s32 $0xFFFFF086  }
0x25: {  	[simem:s6], [sflag:s4] =	dma.local [hbm:s3], $0xF7A  }
0x26: {  	[smem:$0x3F9E] =	sst s1;
	(tag) =	ssettag s2;
	_ =	strace s9  }
0x27: {  	s1 =	sld [smem:$0x3FAE]  }
0x28: {  	s2 =	sld [smem:$0x3FAF]  }
0x29: {  	s4 =	sld [smem:$0x3FB1]  }
0x2a: {  	p0 =	seq.s32 s5, $0x0;
	s5 =	sld [smem:$0x3FB2]  }
0x2b: {  	s6 =	sld [smem:$0x3FB3]  }
0x2c: {  	s7 =	sld [smem:$0x3FB4]  }
0x2d: {  	s3 =	simm.s32 $0x108;
	s8 =	sld [smem:$0x3FB5]  }
0x2e: {  	s3 =	simm.s32 @!p0 $0x1082;
	s9 =	sld [smem:$0x3FB6]  }
0x2f: {  	lr =	sadd.s32 s0, s3;
	s0 =	sld [smem:$0x3FAD]  }
0x30: {  	s3 =	sld [smem:$0x3FB0]  }
0x31: {  	[smem:$0x3FB9] =	sst s10  }
0x32: {  	s10 =	sld [smem:$0x3FB7];
	_ =	sdelay $0x3  }
0x33: {  	p0 =	seq.s32 s10, $0x1;
	s10 =	sld [smem:$0x3FB9];
	_ =	sdelay $0x3  }
0x34: {  	[smem:$0x3FB9] =	sst s10  }
0x35: {  	s10 =	sld [smem:$0x3FB8];
	_ =	sdelay $0x3  }
0x36: {  	p1 =	seq.s32 s10, $0x1;
	s10 =	sld [smem:$0x3FB9];
	_ =	sdelay $0x3  }
0x37: {  	[smem:$0x3FB9] =	sst s10  }
0x38: {  	s10 =	sld [smem:$0x3FBA]  }
0x39: {  	_ = 	snop;
	(pc) =	sbr.ind lr, $3  }
0x3a: {  	_ = 	snop  }
0x3b: {  	_ = 	snop  }
0x3c: {  	p2 =	seq.s32 s10, $0x1;
	s10 =	sld [smem:$0x3FB9]  }
0x3d: {  	_ =	shalt  }
0x3e: {  	_ =	shalt  }
0x3f: {  	_ =	shalt  }
0x40: {  	_ =	shalt  }
0x41: {  	_ =	shalt  }
0x42: {  	_ =	shalt  }
0x43: {  	_ =	shalt  }
0x44: {  	_ =	shalt  }
0x45: {  	_ =	shalt  }
0x46: {  	_ =	shalt  }
0x47: {  	_ =	shalt  }
0x48: {  	_ =	shalt  }
0x49: {  	_ =	shalt  }
0x4a: {  	_ =	shalt  }
0x4b: {  	_ =	shalt  }
0x4c: {  	_ =	shalt  }
0x4d: {  	_ =	shalt  }
0x4e: {  	_ =	shalt  }
0x4f: {  	_ =	shalt  }
0x50: {  	_ =	shalt  }
0x51: {  	_ =	shalt  }
0x52: {  	_ =	shalt  }
0x53: {  	_ =	shalt  }
0x54: {  	_ =	shalt  }
0x55: {  	_ =	shalt  }
0x56: {  	_ =	shalt  }
0x57: {  	_ =	shalt  }
0x58: {  	_ =	shalt  }
0x59: {  	_ =	shalt  }
0x5a: {  	_ =	shalt  }
0x5b: {  	_ =	shalt  }
0x5c: {  	_ =	shalt  }
0x5d: {  	_ =	shalt  }
0x5e: {  	_ =	shalt  }
0x5f: {  	_ =	shalt  }
0x60: {  	_ =	shalt  }
0x61: {  	_ =	shalt  }
0x62: {  	_ =	shalt  }
0x63: {  	_ =	shalt  }
0x64: {  	_ =	shalt  }
0x65: {  	_ =	shalt  }
0x66: {  	_ =	shalt  }
0x67: {  	_ =	shalt  }
0x68: {  	_ =	shalt  }
0x69: {  	_ =	shalt  }
0x6a: {  	_ =	shalt  }
0x6b: {  	_ =	shalt  }
0x6c: {  	_ =	shalt  }
0x6d: {  	_ =	shalt  }
0x6e: {  	_ =	shalt  }
0x6f: {  	_ =	shalt  }
0x70: {  	_ =	shalt  }
0x71: {  	_ =	shalt  }
0x72: {  	_ =	shalt  }
0x73: {  	_ =	shalt  }
0x74: {  	_ =	shalt  }
0x75: {  	_ =	shalt  }
0x76: {  	_ =	shalt  }
0x77: {  	_ =	shalt  }
0x78: {  	_ =	shalt  }
0x79: {  	_ =	shalt  }
0x7a: {  	_ =	shalt  }
0x7b: {  	_ =	shalt  }
0x7c: {  	_ =	shalt  }
0x7d: {  	_ =	shalt  }
0x7e: {  	_ =	shalt  }
0x7f: {  	_ =	shalt  }
0x80: {  	_ =	shalt  }
0x81: {  	_ =	shalt  }
0x82: {  	_ =	shalt  }
0x83: {  	_ =	shalt  }
0x84: {  	_ =	shalt  }
0x85: {  	_ =	shalt  }
0x86: {  	_ =	shalt  }
0x87: {  	_ =	shalt  }
.Lfunc_end0:
.L_simem_size_0:
called_computation.4_lowered:
.L_overlay_start_0:
0x88: {  	s2 =	sld [smem:$0x3FD9]  }
0x89: {  	s3 =	sld [smem:$0x3FFE];
	_ =	sdelay $0x1  }
0x8a: {  	s1 =	srdreg.scid  }
0x8b: {  	s0 =	sand.u32 $0x1, s1  }
0x8c: {  	s14 =	sshll.u32 s0, $0xA;
	s2 =	sadd.s32 s3, s2  }
0x8d: {  	s2 =	sadd.s32 s2, s14  }
0x8e: {  	[smem:$0x3FC5] =	sst s2  }
0x8f: {  	_ = 	snop  }
0x90: {  	s2 =	sld [smem:$0x3FD0];
	_ =	sdelay $0x2  }
0x91: {  	s15 =	simm.s32 $0xA;
	s4 =	simm.s32 $0x10  }
0x92: {  	[smem:s4], [sflag:s15] =	dma.local [hbm:s2], $0x1  }
0x93: {  	_ =	swait.eq [sflag:s15], $0x1  }
0x94: {  	[sflag:s15] =	ssyncset.done $0x0  }
0x95: {  	s16 =	sld [smem:$0x10];
	[sflag:s15] =	ssyncadd.s32 $0xFFFFFFFF  }
0x96: {  	s17 =	sld [smem:$0x12];
	(tm) =	ssettm $0x1  }
0x97: {  	s18 =	sld [smem:$0x3FFB];
	_ =	sdelay $0x3  }
0x98: {  	_ =	strace s18  }
0x99: {  	s4 =	sld [smem:$0x3FFC];
	_ =	sdelay $0x3  }
0x9a: {  	_ =	strace s4  }
0x9b: {  	s4 =	sld [smem:$0x3FFD];
	_ =	sdelay $0x3  }
0x9c: {  	_ =	strace s4  }
0x9d: {  	_ =	strace $0x8FFFFFFF  }
0x9e: {  	s19 =	sld [smem:$0x3FDB];
	_ =	sdelay $0x1  }
0x9f: {  	s5 =	simm.s32 $_scs_section_size  }
0xa0: {  	s6 =	simm.s32 $_size__tile_overlayer_lowered;
	s7 =	simm.s32 $_tile_overlayer_lowered  }
0xa1: {  	s22 =	simm.s32 $0x1BFF;
	s21 =	sshll.u32 s7, $0x1;
	s4 =	sadd.s32 s5, s19  }
0xa2: {  	s8 =	simm.s32 $0x0;
	s20 =	sshll.u32 s6, $0x1;
	s6 =	sadd.s32 s21, s4  }
0xa3: {  	[timem:s8], [sflag:s22] =	dma.local [hbm:s6], s20  }
0xa4: {  	_ =	swait.ge [sflag:s22], s20  }
0xa5: {  	s5 =	ssub.s32 $0x0, s20;
	[sflag:s22] =	ssyncset.done $0x0  }
0xa6: {  	[sflag:s22] =	ssyncadd.s32 s5;
	_ =	sdelay $0x1  }
0xa7: {  	s23 =	simm.s32 $0x1B8B  }
0xa8: {  	_ =	swait.ge [sflag:s23], $0x1  }
0xa9: {  	[sflag:s23] =	ssyncset.done $0x0  }
0xaa: {  	s25 =	simm.s32 $0x1B8E;
	s24 =	sld [smem:$0x3FFE];
	[sflag:s23] =	ssyncadd.s32 $0xFFFFFFFF  }
0xab: {  	s26 =	simm.s32 $execute0_lowered;
	[smem:$0x3FD2] =	sst s25  }
0xac: {  	s6 =	sshll.u32 s26, $0x1;
	_ =	strace $0x80000052;
	[dreg:$0x1] =	wrdreg $0xFFFFFFFF  }
0xad: {  	s28 =	simm.s32 $_size_execute0_lowered;
	s4 =	sadd.s32 s4, s6;
	[dreg:$0x0] =	wrdreg $0x0  }
0xae: {  	s6 =	sshll.u32 s28, $0x1;
	[dreg:$0x2] =	wrdreg s4  }
0xaf: {  	[dreg:$0x3] =	wrdreg s6  }
0xb0: {  	[dreg:$0x4] =	wrdreg $0xC0  }
0xb1: {  	_ =	task [dreg:s8], $0x5FFFF  }
0xb2: {  	[dreg:$0x1] =	wrdreg $0xFFFFFFFF  }
0xb3: {  	[dreg:$0x0] =	wrdreg $0x60  }
0xb4: {  	[dreg:$0x2] =	wrdreg s17  }
0xb5: {  	[dreg:$0x3] =	wrdreg s16  }
0xb6: {  	[dreg:$0x4] =	wrdreg s24  }
0xb7: {  	[dreg:$0x5] =	wrdreg $0x9  }
0xb8: {  	_ =	task.clear_ibuf [dreg:s8], $0x6FFFF;
	_ =	strace $0x90000052  }
0xb9: {  	s29 =	simm.s32 $0x9;
	_ =	strace $0x80000054  }
0xba: {  	_ =	swait.ge [sflag:s29], $0x1  }
0xbb: {  	[sflag:s29] =	ssyncadd.s32 $0xFFFFFFFF  }
0xbc: {  	_ =	strace $0x90000054  }
0xbd: {  	_ =	sfence  }
0xbe: {  	s30 =	sld [smem:$0x0];
	_ =	sdelay $0x2  }
0xbf: {  	s31 =	sshll.u32 s1, $0xD;
	s1 =	sshrl.u32 s1, $0x2  }
0xc0: {  	s3 =	sand.u32 $0x4000, s31;
	s1 =	sadd.s32 s1, s30  }
0xc1: {  	s0 =	sor.u32 s3, s0;
	s1 =	sshll.u32 s1, $0x11  }
0xc2: {  	s0 =	sor.u32 s1, s0  }
0xc3: {  	s0 =	sadd.s32 $0x8F2B, s0  }
0xc4: {  	[sflag:s0] =	ssyncadd.remote.s32 $0x1  }
0xc5: {  	_ =	sfence.sel $0xFFFF  }
0xc6: {  	[dreg:$0x0] =	wrdreg $0xFFFFFFFF;
	(pc) =	sbr.abs _section_cstart, $3  }
0xc7: {  	[dreg:$0x1] =	wrdreg $0xFFFFFFFF  }
0xc8: {  	_ =	task.clear_ibuf [dreg:s8], $0x2FFFF;
	_ =	strace $0x9FFFFFFF  }
0xc9: {  	(tm) =	ssettm $0x7FFFFFFF  }
tec
execute0_lowered:
.L_overlay_start_1:
0x0: {  	(tag) =	ssettag $0x1  }
0x1: {  	s2 =	rddreg [dreg:$0x0]  }
0x2: {  	s3 =	rddreg [dreg:$0x1]  }
0x3: {  	s4 =	rddreg [dreg:$0x2];
	s1 =	stileid.u32  }
0x4: {  	s5 =	srdreg.scid;
	s0 =	rddreg [dreg:$0x3]  }
0x5: {  	_ =	strace $0x80000053;
	s8 =	simm.s32 $0x1;
	s9 =	simm.s32 $0x1  }
0x6: {  	s10 =	simm.s32 $0x3;
	s6 =	sand.u32 $0x1, s5;
	s7 =	sshll.u32 s1, $0x1  }
0x7: {  	s13 =	simm.s32 $0x0;
	s5 =	simm.s32 $0x1;
	s6 =	sor.u32 s7, s6  }
.Ltmp0:
0x8: {  	[sflag:s5] =	ssyncpa.u1 $0x0;
	p0 =	slt.u32 s6, $0x13;
	(pc) =	sbr.rel .LBB2_1-.Ltmp0, $4  }
0x9: {  	s7 =	simm.s32 $0x2;
	s8 =	simm.s32 @!p0 $0x0;
	p0 =	sne.s32 s6, $0x12  }
0xa: {  	[sflag:s7] =	ssyncpa.u1 $0x0;
	s6 =	smul.u32 $0x30, s6;
	s9 =	simm.s32 @!p0 $0x0  }
0xb: {  	s12 =	simm.s32 $0x0;
	[sflag:s10] =	ssyncpa.u1 $0x0;
	s8 =	sadd.s32 s9, s8  }
0xc: {  	vm0 =	vmmov $0xffff;
	s10 =	simm.s32 $0x0;
	s11 =	smov.u32 s6;
	s9 =	sadd.s32 $0x1, s8  }
.LBB2_4:
0xd: {  	v3 =	vmul.u32 $0xC00, v3;
	v4 =	vshll.u32 v1, $0x3  }
0xe: {  	v2 =	vshll.u32 v2, $0x7;
	v4 =	vand.u32 $0xFFFFFC00, v4  }
0xf: {  	v2 =	vand.u32 $0x380, v2;
	v3 =	vadd.s32 v3, v4  }
0x10: {  	v63 =	vand.u32 $0x7F, v1;
	v2 =	vor.u32 v2, v3  }
0x11: {  	v1 =	vor.u32 v63, v2;
	_ =	sdelay $0x2  }
0x12: {  	[tilespmem:s15], [sflag:$0x1] =	stream.indirect_vreg.gather [hbm4b:s2+s10], $0x1, v0, vm0, $0x4038;
	[tilespmem:$0xC0] =	vst v63  }
0x13: {  	(ifvalue) =	ssetifvalue $0x7FFFFFFF;
	s29 =	sadd.s32 $0x10, s15  }
0x14: {  	[tilespmem:s29], [sflag:$0x1] =	stream.indirect_vreg.gather [hbm4b:s2+s10], $0x1, v1, vm0, $0x4038;
	[tilespmem:$0xC0] =	vst v63  }
0x15: {  	_ =	swait.ge [sflag:s5], $0x30  }
0x16: {  	s30 =	sshrl.u32 s13, $0x3;
	[sflag:s5] =	ssyncset.done $0x0  }
0x17: {  	s31 =	sand.u32 $0x7, s13;
	s15 =	sadd.s32 s4, s30;
	[sflag:s5] =	ssyncadd.s32 $0xFFFFFFD0  }
0x18: {  	[hbm4b:s15+s31] =	stream.linear.scatter [tilespmem:s14], [sflag:$0x3], $0x30, $0x38;
	[tilespmem:$0xC0] =	vst v63  }
.LBB2_5:
0x19: {  	s15 =	sadd.s32 $0x600, s11  }
0x1a: {  	p1 =	sgt.s32 s15, $0x95F  }
0x1b: {  	s15 =	smov.u32 @p1 s6;
	p1 =	sne.s32 s12, s9  }
.Ltmp1:
0x1c: {  	p0 =	slt.u32 s12, $0x2;
	(pc) =	sbr.rel @!p1 .LBB2_6-.Ltmp1, $4  }
0x1d: {  	s14 =	simm.s32 @!p0 $0x3  }
0x1e: {  	_ =	swait.ge @!p0 [sflag:s14], $0x30  }
0x1f: {  	s16 =	sadd.s32 $0x1, s12;
	s13 =	smov.u32 s11;
	[sflag:s14] =	ssyncset.done @!p0 $0x0  }
0x20: {  	s12 =	smov.u32 s16;
	s11 =	smov.u32 s15;
	[sflag:s14] =	ssyncadd.s32 @!p0 $0xFFFFFFD0  }
.LBB2_1:
0x21: {  	p0 =	sge.u32 s12, s8  }
0x22: {  	s14 =	sxor.u32 @!p0 $0x1, s12  }
0x23: {  	s14 =	smul.u32 @!p0 $0xC0, s14  }
0x24: {  	s31 =	sadd.s32 $0xFFFFFFFF, s12;
	s15 =	sshrl.u32 @!p0 s11, $0x3  }
0x25: {  	s16 =	sand.u32 @!p0 $0x7, s11;
	s15 =	sadd.s32 @!p0 s3, s15;
	s14 =	sshra.s32 @!p0 s14, $0x2  }
0x26: {  	[tilespmem:s14], [sflag:$0x2] =	stream.linear.gather @!p0 [hbm4b:s15+s16], $0x30, $0x38;
	[tilespmem:$0xC0] =	vst v63  }
0x27: {  	p0 =	sge.u32 s31, s8  }
.Ltmp2:
0x28: {  	_ = 	snop;
	(pc) =	sbr.rel @p0 .LBB2_5-.Ltmp2, $1  }
0x29: {  	_ =	sdelay $0x3  }
0x2a: {  	s14 =	sand.u32 $0x1, s12  }
0x2b: {  	_ =	swait.ge [sflag:s7], $0x30;
	p0 =	seq.s32 s14, $0x1;
	s14 =	simm.s32 $0x30  }
0x2c: {  	[sflag:s7] =	ssyncset.done $0x0;
	s14 =	simm.s32 @!p0 $0x0  }
0x2d: {  	[sflag:s7] =	ssyncadd.s32 $0xFFFFFFD0;
	(ifvalue) =	ssetifvalue $0x7FFFFFFF;
	v0 =	vld.msk [tilespmem:s14+$0x0 ss:$0x1], $0xffff;
	_ =	sdelay $0x4  }
0x2e: {  	vm1 =	veq.s32 v0, $0x80000000;
	v1 =	vand.u32 $0x7, v0;
	v0 =	vshrl.u32 v0, $0x3  }
0x2f: {  	v1 =	vsel vm1, $0xFFFFFFFF, v1;
	v0 =	vand.u32 $0x1FF, v0  }
0x30: {  	v0 =	vsel vm1, $0xFFFFFFFF, v0;
	v2 =	vshrl.u32 v1, $0x3  }
0x31: {  	s15 =	sadd.s32 $0x10, s14;
	v2 =	vmul.u32 $0xC00, v2;
	v4 =	vshll.u32 v0, $0x3  }
0x32: {  	v3 =	vld.msk [tilespmem:s15+$0x0 ss:$0x1], $0xffff;
	v1 =	vshll.u32 v1, $0x7;
	v4 =	vand.u32 $0xFFFFFC00, v4  }
0x33: {  	v1 =	vand.u32 $0x380, v1;
	v2 =	vadd.s32 v2, v4  }
0x34: {  	v0 =	vand.u32 $0x7F, v0;
	v1 =	vor.u32 v1, v2  }
0x35: {  	v0 =	vor.u32 v0, v1;
	_ =	sdelay $0x1  }
0x36: {  	vm1 =	veq.s32 v3, $0x80000000;
	v2 =	vand.u32 $0x7, v3;
	v3 =	vshrl.u32 v3, $0x3  }
0x37: {  	s16 =	simm.s32 $0x10;
	s14 =	sadd.s32 $0x60, s14;
	v2 =	vsel vm1, $0xFFFFFFFF, v2;
	v3 =	vand.u32 $0x1FF, v3  }
0x38: {  	s17 =	sadd.s32 $0x10, s15;
	(ifvalue) =	ssetifvalue $0x7FFFFFFF;
	s15 =	smov.u32 s14;
	v1 =	vsel vm1, $0xFFFFFFFF, v3;
	v3 =	vshrl.u32 v2, $0x3  }
.LBB2_3:
0x39: {  	v4 =	vld.msk [tilespmem:s17+$0x0 ss:$0x1], $0xffff;
	v3 =	vmul.u32 $0xC00, v3;
	v5 =	vshll.u32 v1, $0x3;
	[tilespmem:s15], [sflag:$0x1] =	stream.indirect_vreg.gather [hbm4b:s2+s10], $0x1, v0, vm0, $0x4038  }
0x3a: {  	s16 =	sadd.s32 $0x10, s16;
	v2 =	vshll.u32 v2, $0x7;
	v0 =	vand.u32 $0xFFFFFC00, v5  }
0x3b: {  	p0 =	slt.u32 s16, $0x20;
	v2 =	vand.u32 $0x380, v2;
	v0 =	vadd.s32 v3, v0  }
0x3c: {  	v1 =	vand.u32 $0x7F, v1;
	v0 =	vor.u32 v2, v0  }
.Ltmp3:
0x3d: {  	v0 =	vor.u32 v1, v0;
	(pc) =	sbr.rel @p0 .LBB2_3-.Ltmp3, $4  }
0x3e: {  	_ = 	snop  }
0x3f: {  	vm1 =	veq.s32 v4, $0x80000000;
	v1 =	vand.u32 $0x7, v4;
	v3 =	vshrl.u32 v4, $0x3  }
0x40: {  	v2 =	vsel vm1, $0xFFFFFFFF, v1;
	v1 =	vand.u32 $0x1FF, v3  }
0x41: {  	s17 =	sadd.s32 $0x10, s17;
	s15 =	sadd.s32 $0x10, s15;
	v1 =	vsel vm1, $0xFFFFFFFF, v1;
	v3 =	vshrl.u32 v2, $0x3;
	(ifvalue) =	ssetifvalue $0x7FFFFFFF  }
.Ltmp4:
0x42: {  	_ = 	snop;
	(pc) =	sbr.rel .LBB2_4-.Ltmp4, $1  }
0x43: {  	_ =	sdelay $0x3  }
.LBB2_6:
0x44: {  	_ =	sfence.sel $0x180000  }
0x45: {  	s2 =	simm.s32 $0x2;
	[bflag:$0x0] =	sbarrier.arrive $0xFFFF  }
0x46: {  	s30 =	simm.s32 $0x3;
	[sflag:s2] =	ssyncpa.u1 $0x1  }
0x47: {  	s31 =	simm.s32 $0x1;
	[sflag:s30] =	ssyncpa.u1 $0x1  }
0x48: {  	[sflag:s31] =	ssyncpa.u1 $0x1  }
0x49: {  	p0 =	sne.s32 s1, $0x0;
	_ =	strace $0x90000053  }
0x4a: {  	s0 =	sadd.s32 @!p0 $0x100000, s0;
	[bflag:$0x2] =	sbarrier.arrive $0xFFFF  }
0x4b: {  	[sflag:s0] =	ssyncadd.tile.s32 @!p0 $0x1;
	_ =	shalt  }
.Lfunc_end2:
_tile_overlayer_lowered:
.L_overlay_start_2:
0x4c: {  	(tag) =	ssettag $0x2  }
0x4d: {  	s0 =	rddreg [dreg:$0x0];
	s2 =	stileid.u32  }
0x4e: {  	s1 =	rddreg [dreg:$0x1];
	p0 =	sne.s32 s2, $0x0  }
0x4f: {  	s3 =	rddreg [dreg:$0x2];
	[bflag:$0x3] =	sbarrier.arrive $0xFFFF;
	s2 =	simm.s32 @!p0 $0x1C01  }
0x50: {  	[timem:s3], [sflag:s2] =	dma.local @!p0 [hbm:s0], s1  }
0x51: {  	s0 =	simm.s32 @!p0 $0x1  }
0x52: {  	_ =	swait.ge @!p0 [sflag:s0], s1  }
0x53: {  	s1 =	ssub.s32 @!p0 $0x0, s1;
	[sflag:s0] =	ssyncset.done @!p0 $0x0  }
0x54: {  	[sflag:s0] =	ssyncadd.s32 @!p0 s1  }
0x55: {  	[bflag:$0x3] =	sbarrier.arrive $0xFFFF  }
0x56: {  	_ =	shalt  }

// kernel: gather_offload_async_start
scs
__scs_entry_jumppad:
0x0: {  	(pc) =	sbr.rel $0x88, $3  }
0x1: {  	(tag) =	ssettag $0x0;
	lr =	simm.s32 $0x1  }
0x2: {  	[smem:$0x3F9E] =	sst lr;
	_ =	strace $0xD0000000  }
0x3: {  	_ = 	snop  }
0x4: {  	_ = 	snop  }
0x5: {  	_ = 	snop  }
0x6: {  	_ = 	snop  }
0x7: {  	_ = 	snop  }
__scs_overlays_trampoline_lowered:
0x8: {  	[smem:$0x3FAD] =	sst s0  }
0x9: {  	[smem:$0x3FAE] =	sst s1  }
0xa: {  	[smem:$0x3FAF] =	sst s2  }
0xb: {  	[smem:$0x3FB0] =	sst s3  }
0xc: {  	[smem:$0x3FB1] =	sst s4  }
0xd: {  	[smem:$0x3FB2] =	sst s5  }
0xe: {  	[smem:$0x3FB3] =	sst s6  }
0xf: {  	[smem:$0x3FB4] =	sst s7  }
0x10: {  	[smem:$0x3FB5] =	sst s8  }
0x11: {  	[smem:$0x3FB6] =	sst s9;
	s0 =	simm.s32 @!p0 $0x0  }
0x12: {  	s1 =	sld [smem:$0x3F9C];
	s0 =	simm.s32 @p0 $0x1  }
0x13: {  	[smem:$0x3FB7] =	sst s0;
	s0 =	simm.s32 @!p1 $0x0  }
0x14: {  	s2 =	sld [smem:$0x3F9B];
	s0 =	simm.s32 @p1 $0x1  }
0x15: {  	[smem:$0x3FB8] =	sst s0;
	s0 =	simm.s32 @!p2 $0x0  }
0x16: {  	s3 =	sld [smem:$0x3FDB];
	s0 =	simm.s32 @p2 $0x1  }
0x17: {  	s4 =	simm.s32 $0x1BF5;
	[smem:$0x3FBA] =	sst s0  }
0x18: {  	s0 =	sld [smem:$0x3F9D];
	_ =	swait.ge [sflag:s4], $0x0  }
0x19: {  	s7 =	sld [smem:$0x3F9E]  }
0x1a: {  	s8 =	sadd.s32 $0xFFFFE003, lr  }
0x1b: {  	s9 =	sadd.s32 $0xFFFFFEF7, lr;
	s5 =	simm.s32 $0xFFFFFFFF;
	p2 =	slt.u32 s8, $0xFFFFF086  }
0x1c: {  	p1 =	slt.u32 s9, $0xF7A;
	s5 =	simm.s32 @!p2 $0x0  }
0x1d: {  	s5 =	simm.s32 @p1 $0x1;
	p0 =	seq.s32 s7, s2  }
0x1e: {  	s7 =	smul.u32 @!p0 $0xF7A, s2;
	p2 =	seq.s32 @!p0 s5, $0x0  }
0x1f: {  	s9 =	smul.u32 $0xF7A, s1;
	s8 =	simm.s32 @!p0 $0x1BF5;
	p2 =	por !p2, p0  }
0x20: {  	[sflag:s8] =	ssyncset.s32 @!p0 $0xFFFFF086;
	s6 =	sadd.s32 @!p0 s3, s7;
	s7 =	simm.s32 @!p0 $0x108  }
0x21: {  	s3 =	sadd.s32 s3, s9;
	s6 =	sadd.s32 @!p0 $0x88, s6;
	s7 =	simm.s32 @p2 $0x1082  }
0x22: {  	[simem:s7], [sflag:s8] =	dma.local @!p0 [hbm:s6], $0xF7A  }
0x23: {  	s9 =	sor.u32 $0xD0000000, s2;
	s6 =	simm.s32 $0x108;
	_ =	swait.ge @!p0 [sflag:s8], $0x0  }
0x24: {  	s3 =	sadd.s32 $0x88, s3;
	s6 =	simm.s32 @!p1 $0x1082;
	[sflag:s4] =	ssyncset.s32 $0xFFFFF086  }
0x25: {  	[simem:s6], [sflag:s4] =	dma.local [hbm:s3], $0xF7A  }
0x26: {  	[smem:$0x3F9E] =	sst s1;
	(tag) =	ssettag s2;
	_ =	strace s9  }
0x27: {  	s1 =	sld [smem:$0x3FAE]  }
0x28: {  	s2 =	sld [smem:$0x3FAF]  }
0x29: {  	s4 =	sld [smem:$0x3FB1]  }
0x2a: {  	p0 =	seq.s32 s5, $0x0;
	s5 =	sld [smem:$0x3FB2]  }
0x2b: {  	s6 =	sld [smem:$0x3FB3]  }
0x2c: {  	s7 =	sld [smem:$0x3FB4]  }
0x2d: {  	s3 =	simm.s32 $0x108;
	s8 =	sld [smem:$0x3FB5]  }
0x2e: {  	s3 =	simm.s32 @!p0 $0x1082;
	s9 =	sld [smem:$0x3FB6]  }
0x2f: {  	lr =	sadd.s32 s0, s3;
	s0 =	sld [smem:$0x3FAD]  }
0x30: {  	s3 =	sld [smem:$0x3FB0]  }
0x31: {  	[smem:$0x3FB9] =	sst s10  }
0x32: {  	s10 =	sld [smem:$0x3FB7];
	_ =	sdelay $0x3  }
0x33: {  	p0 =	seq.s32 s10, $0x1;
	s10 =	sld [smem:$0x3FB9];
	_ =	sdelay $0x3  }
0x34: {  	[smem:$0x3FB9] =	sst s10  }
0x35: {  	s10 =	sld [smem:$0x3FB8];
	_ =	sdelay $0x3  }
0x36: {  	p1 =	seq.s32 s10, $0x1;
	s10 =	sld [smem:$0x3FB9];
	_ =	sdelay $0x3  }
0x37: {  	[smem:$0x3FB9] =	sst s10  }
0x38: {  	s10 =	sld [smem:$0x3FBA]  }
0x39: {  	_ = 	snop;
	(pc) =	sbr.ind lr, $3  }
0x3a: {  	_ = 	snop  }
0x3b: {  	_ = 	snop  }
0x3c: {  	p2 =	seq.s32 s10, $0x1;
	s10 =	sld [smem:$0x3FB9]  }
0x3d: {  	_ =	shalt  }
0x3e: {  	_ =	shalt  }
0x3f: {  	_ =	shalt  }
0x40: {  	_ =	shalt  }
0x41: {  	_ =	shalt  }
0x42: {  	_ =	shalt  }
0x43: {  	_ =	shalt  }
0x44: {  	_ =	shalt  }
0x45: {  	_ =	shalt  }
0x46: {  	_ =	shalt  }
0x47: {  	_ =	shalt  }
0x48: {  	_ =	shalt  }
0x49: {  	_ =	shalt  }
0x4a: {  	_ =	shalt  }
0x4b: {  	_ =	shalt  }
0x4c: {  	_ =	shalt  }
0x4d: {  	_ =	shalt  }
0x4e: {  	_ =	shalt  }
0x4f: {  	_ =	shalt  }
0x50: {  	_ =	shalt  }
0x51: {  	_ =	shalt  }
0x52: {  	_ =	shalt  }
0x53: {  	_ =	shalt  }
0x54: {  	_ =	shalt  }
0x55: {  	_ =	shalt  }
0x56: {  	_ =	shalt  }
0x57: {  	_ =	shalt  }
0x58: {  	_ =	shalt  }
0x59: {  	_ =	shalt  }
0x5a: {  	_ =	shalt  }
0x5b: {  	_ =	shalt  }
0x5c: {  	_ =	shalt  }
0x5d: {  	_ =	shalt  }
0x5e: {  	_ =	shalt  }
0x5f: {  	_ =	shalt  }
0x60: {  	_ =	shalt  }
0x61: {  	_ =	shalt  }
0x62: {  	_ =	shalt  }
0x63: {  	_ =	shalt  }
0x64: {  	_ =	shalt  }
0x65: {  	_ =	shalt  }
0x66: {  	_ =	shalt  }
0x67: {  	_ =	shalt  }
0x68: {  	_ =	shalt  }
0x69: {  	_ =	shalt  }
0x6a: {  	_ =	shalt  }
0x6b: {  	_ =	shalt  }
0x6c: {  	_ =	shalt  }
0x6d: {  	_ =	shalt  }
0x6e: {  	_ =	shalt  }
0x6f: {  	_ =	shalt  }
0x70: {  	_ =	shalt  }
0x71: {  	_ =	shalt  }
0x72: {  	_ =	shalt  }
0x73: {  	_ =	shalt  }
0x74: {  	_ =	shalt  }
0x75: {  	_ =	shalt  }
0x76: {  	_ =	shalt  }
0x77: {  	_ =	shalt  }
0x78: {  	_ =	shalt  }
0x79: {  	_ =	shalt  }
0x7a: {  	_ =	shalt  }
0x7b: {  	_ =	shalt  }
0x7c: {  	_ =	shalt  }
0x7d: {  	_ =	shalt  }
0x7e: {  	_ =	shalt  }
0x7f: {  	_ =	shalt  }
0x80: {  	_ =	shalt  }
0x81: {  	_ =	shalt  }
0x82: {  	_ =	shalt  }
0x83: {  	_ =	shalt  }
0x84: {  	_ =	shalt  }
0x85: {  	_ =	shalt  }
0x86: {  	_ =	shalt  }
0x87: {  	_ =	shalt  }
.Lfunc_end0:
.L_simem_size_0:
called_computation_lowered:
.L_overlay_start_0:
0x88: {  	s2 =	sld [smem:$0x3FD9]  }
0x89: {  	s3 =	sld [smem:$0x3FFE];
	_ =	sdelay $0x1  }
0x8a: {  	s1 =	srdreg.scid  }
0x8b: {  	s0 =	sand.u32 $0x1, s1  }
0x8c: {  	s14 =	sshll.u32 s0, $0xA;
	s2 =	sadd.s32 s3, s2  }
0x8d: {  	s2 =	sadd.s32 s2, s14  }
0x8e: {  	[smem:$0x3FC5] =	sst s2  }
0x8f: {  	_ = 	snop  }
0x90: {  	s2 =	sld [smem:$0x3FD0];
	_ =	sdelay $0x2  }
0x91: {  	s15 =	simm.s32 $0xA;
	s4 =	simm.s32 $0x10  }
0x92: {  	[smem:s4], [sflag:s15] =	dma.local [hbm:s2], $0x1  }
0x93: {  	_ =	swait.eq [sflag:s15], $0x1  }
0x94: {  	[sflag:s15] =	ssyncset.done $0x0  }
0x95: {  	[sflag:s15] =	ssyncadd.s32 $0xFFFFFFFF  }
0x96: {  	s16 =	sld [smem:$0x12];
	(tm) =	ssettm $0x1  }
0x97: {  	s17 =	sld [smem:$0x3FFB];
	_ =	sdelay $0x3  }
0x98: {  	_ =	strace s17  }
0x99: {  	s3 =	sld [smem:$0x3FFC];
	_ =	sdelay $0x3  }
0x9a: {  	_ =	strace s3  }
0x9b: {  	s3 =	sld [smem:$0x3FFD];
	_ =	sdelay $0x3  }
0x9c: {  	_ =	strace s3  }
0x9d: {  	_ =	strace $0x8FFFFFFF  }
0x9e: {  	s18 =	sld [smem:$0x3FDB];
	_ =	sdelay $0x1  }
0x9f: {  	s19 =	simm.s32 $_scs_section_size  }
0xa0: {  	s5 =	simm.s32 $_size__tile_overlayer_lowered;
	s6 =	simm.s32 $_tile_overlayer_lowered  }
0xa1: {  	s22 =	simm.s32 $0x1BFF;
	s21 =	sshll.u32 s6, $0x1;
	s3 =	sadd.s32 s19, s18  }
0xa2: {  	s7 =	simm.s32 $0x0;
	s20 =	sshll.u32 s5, $0x1;
	s5 =	sadd.s32 s21, s3  }
0xa3: {  	[timem:s7], [sflag:s22] =	dma.local [hbm:s5], s20  }
0xa4: {  	_ =	swait.ge [sflag:s22], s20  }
0xa5: {  	s4 =	ssub.s32 $0x0, s20;
	[sflag:s22] =	ssyncset.done $0x0  }
0xa6: {  	[sflag:s22] =	ssyncadd.s32 s4;
	_ =	sdelay $0x1  }
0xa7: {  	s23 =	simm.s32 $0x1B8B  }
0xa8: {  	_ =	swait.ge [sflag:s23], $0x1  }
0xa9: {  	[sflag:s23] =	ssyncset.done $0x0  }
0xaa: {  	s25 =	simm.s32 $0x1B8E;
	s24 =	sld [smem:$0x3FFE];
	[sflag:s23] =	ssyncadd.s32 $0xFFFFFFFF  }
0xab: {  	s26 =	simm.s32 $execute0_lowered;
	[smem:$0x3FD2] =	sst s25  }
0xac: {  	s5 =	sshll.u32 s26, $0x1;
	_ =	strace $0x80000046;
	[dreg:$0x1] =	wrdreg $0xFFFFFFFF  }
0xad: {  	s28 =	simm.s32 $_size_execute0_lowered;
	s3 =	sadd.s32 s3, s5;
	[dreg:$0x0] =	wrdreg $0x0  }
0xae: {  	s5 =	sshll.u32 s28, $0x1;
	[dreg:$0x2] =	wrdreg s3  }
0xaf: {  	[dreg:$0x3] =	wrdreg s5  }
0xb0: {  	[dreg:$0x4] =	wrdreg $0xC0  }
0xb1: {  	_ =	task [dreg:s7], $0x5FFFF  }
0xb2: {  	[dreg:$0x1] =	wrdreg $0xFFFFFFFF  }
0xb3: {  	[dreg:$0x0] =	wrdreg $0x60  }
0xb4: {  	[dreg:$0x2] =	wrdreg s24  }
0xb5: {  	[dreg:$0x3] =	wrdreg s16  }
0xb6: {  	[dreg:$0x4] =	wrdreg $0x9  }
0xb7: {  	_ =	task.clear_ibuf [dreg:s7], $0x5FFFF;
	_ =	strace $0x90000046  }
0xb8: {  	s29 =	simm.s32 $0x9;
	_ =	strace $0x80000048  }
0xb9: {  	_ =	swait.ge [sflag:s29], $0x1  }
0xba: {  	[sflag:s29] =	ssyncadd.s32 $0xFFFFFFFF  }
0xbb: {  	_ =	strace $0x90000048  }
0xbc: {  	_ =	sfence  }
0xbd: {  	s30 =	sld [smem:$0x0];
	_ =	sdelay $0x2  }
0xbe: {  	s31 =	sshll.u32 s1, $0xD;
	s1 =	sshrl.u32 s1, $0x2  }
0xbf: {  	s3 =	sand.u32 $0x4000, s31;
	s1 =	sadd.s32 s1, s30  }
0xc0: {  	s0 =	sor.u32 s3, s0;
	s1 =	sshll.u32 s1, $0x11  }
0xc1: {  	s0 =	sor.u32 s1, s0  }
0xc2: {  	s0 =	sadd.s32 $0x8F2B, s0  }
0xc3: {  	[sflag:s0] =	ssyncadd.remote.s32 $0x1  }
0xc4: {  	_ =	sfence.sel $0xFFFF  }
0xc5: {  	[dreg:$0x0] =	wrdreg $0xFFFFFFFF;
	(pc) =	sbr.abs _section_cstart, $3  }
0xc6: {  	[dreg:$0x1] =	wrdreg $0xFFFFFFFF  }
0xc7: {  	_ =	task.clear_ibuf [dreg:s7], $0x2FFFF;
	_ =	strace $0x9FFFFFFF  }
0xc8: {  	(tm) =	ssettm $0x7FFFFFFF  }
0xc9: {  	_ =	shalt  }
tec
execute0_lowered:
.L_overlay_start_1:
0x0: {  	(tag) =	ssettag $0x1  }
0x1: {  	s0 =	srdreg.scid  }
0x2: {  	s1 =	sshll.u32 s0, $0x4  }
0x3: {  	s0 =	stileid.u32;
	s1 =	sand.u32 $0x10, s1  }
0x4: {  	s2 =	sor.u32 s0, s1  }
0x5: {  	s1 =	smin.u32 s2, $0x1C  }
0x6: {  	s1 =	sadd.s32 s2, s1  }
0x7: {  	p0 =	slt.u32 s2, $0x1C;
	s2 =	simm.s32 $0x50;
	s1 =	smul.u32 $0x28, s1  }
0x8: {  	s2 =	simm.s32 @!p0 $0x28  }
0x9: {  	s2 =	sadd.s32 s2, s1  }
0xa: {  	s3 =	smin.u32 s2, $0x960  }
0xb: {  	s7 =	ssub.s32 s3, s1  }
0xc: {  	p0 =	sgt.s32 s7, $0x0  }
0xd: {  	s7 =	simm.s32 @!p0 $0x0  }
0xe: {  	s4 =	rddreg [dreg:$0x0];
	s31 =	smul.u32 $0xCCCD, s7  }
0xf: {  	s5 =	rddreg [dreg:$0x1]  }
0x10: {  	s6 =	simm.s32 $0x1;
	s10 =	simm.s32 $0x3;
	s8 =	sshrl.u32 s31, $0x15  }
0x11: {  	s13 =	simm.s32 $0x0;
	s12 =	simm.s32 $0x0;
	s9 =	smul.u32 $0x28, s8  }
.Ltmp0:
0x12: {  	s11 =	smov.u32 s1;
	s2 =	rddreg [dreg:$0x2];
	(pc) =	sbr.rel .LBB2_1-.Ltmp0, $4  }
0x13: {  	_ =	strace $0x80000047;
	p0 =	sne.s32 s7, s9;
	s9 =	simm.s32 $0x1  }
0x14: {  	[sflag:s6] =	ssyncpa.u1 $0x0;
	s7 =	simm.s32 $0x2;
	s9 =	simm.s32 @!p0 $0x0  }
0x15: {  	[sflag:s7] =	ssyncpa.u1 $0x0;
	p0 =	por $0x0, $0x0;
	s8 =	sadd.s32 s8, s9  }
0x16: {  	vm0 =	vmmov $0xff;
	vm1 =	vcmask $0x3F20;
	s9 =	sadd.s32 $0x3E800, s4;
	[sflag:s10] =	ssyncpa.u1 $0x0;
	s10 =	sadd.s32 $0x1, s8  }
.LBB2_6:
0x17: {  	[hbm:s17] =	stream.linear.scatter [tilespmem:s14], [sflag:$0x3], $0x400, $0x38;
	[tilespmem:$0x2850] =	vst v63  }
.LBB2_7:
0x18: {  	s13 =	sadd.s32 $0x28, s11  }
0x19: {  	s15 =	smov.u32 s1;
	p2 =	slt.s32 s13, s3  }
0x1a: {  	s15 =	smov.u32 @p2 s13;
	p2 =	sne.s32 s12, s10  }
.Ltmp1:
0x1b: {  	p1 =	slt.u32 s12, $0x2;
	(pc) =	sbr.rel @!p2 .LBB2_8-.Ltmp1, $4  }
0x1c: {  	s14 =	simm.s32 @!p1 $0x3  }
0x1d: {  	s16 =	sadd.s32 $0x1, s12;
	_ =	swait.ge @!p1 [sflag:s14], $0x1400  }
0x1e: {  	p0 =	por !p0, !p0;
	s13 =	smov.u32 s11;
	[sflag:s14] =	ssyncset.done @!p1 $0x0  }
0x1f: {  	s12 =	smov.u32 s16;
	s11 =	smov.u32 s15;
	[sflag:s14] =	ssyncadd.s32 @!p1 $0xFFFFEC00  }
.LBB2_1:
0x20: {  	p1 =	sge.u32 s12, s8  }
0x21: {  	s14 =	sxor.u32 @!p1 $0xFFFFFFFF, s12  }
0x22: {  	s14 =	sand.u32 @!p1 $0x1, s14  }
0x23: {  	s14 =	smul.u32 @!p1 $0xA0, s14  }
0x24: {  	s31 =	sadd.s32 $0xFFFFFFFF, s12;
	s15 =	sshrl.u32 @!p1 s11, $0x3  }
0x25: {  	s16 =	sand.u32 @!p1 $0x7, s11;
	s15 =	sadd.s32 @!p1 s5, s15;
	s14 =	sshrl.u32 @!p1 s14, $0x2  }
0x26: {  	[tilespmem:s14], [sflag:$0x2] =	stream.linear.gather @!p1 [hbm4b:s15+s16], $0x28, $0x38;
	[tilespmem:$0x2850] =	vst v63  }
0x27: {  	p1 =	sge.u32 s31, s8  }
.Ltmp2:
0x28: {  	_ = 	snop;
	(pc) =	sbr.rel @p1 .LBB2_7-.Ltmp2, $1  }
0x29: {  	_ =	sdelay $0x3  }
0x2a: {  	s15 =	sand.u32 $0x1, s12  }
0x2b: {  	s14 =	simm.s32 $0x1;
	s16 =	smul.u32 $0xA0, s15  }
0x2c: {  	s14 =	simm.s32 @!p0 $0x0;
	s15 =	smul.u32 $0x5000, s15  }
0x2d: {  	_ =	swait.ge [sflag:s7], $0x28;
	s14 =	smul.u32 $0x5000, s14  }
0x2e: {  	s18 =	simm.s32 $0x0;
	p1 =	por $0x1, $0x1;
	[sflag:s7] =	ssyncset.done $0x0  }
0x2f: {  	[sflag:s7] =	ssyncadd.s32 $0xFFFFFFD8;
	s15 =	sshrl.u32 s15, $0x2;
	s14 =	sshrl.u32 s14, $0x2  }
0x30: {  	s16 =	sshrl.u32 s16, $0x2;
	s17 =	sor.u32 $0x50, s15;
	s14 =	sor.u32 $0x50, s14  }
.LBB2_3:
0x31: {  	s19 =	sshll.u32 s18, $0x4  }
0x32: {  	s19 =	sand.u32 $0x3FFFFFF0, s19  }
0x33: {  	s19 =	sadd.s32 s19, s16  }
0x34: {  	v0 =	vld.msk [tilespmem:s19+$0x0 ss:$0x1], $0xffff;
	_ =	sdelay $0x4  }
0x35: {  	v1 =	vand.u32 $0x7, v0;
	v2 =	vshll.u32 v0, $0x4  }
0x36: {  	vm2 =	veq.s32 v0, $0x80000000;
	v61 =	vmul.u32 $0x3E800, v1;
	v62 =	vand.u32 $0x3FF80, v2  }
0x37: {  	v1 =	vsel vm2, $0xFFFFFF80, v62  }
0x38: {  	v0 =	vsel vm2, $0xFFFC1800, v61;
	v63 =	vand.u32 $0xFFFFFC00, v1  }
0x39: {  	v1 =	vand.u32 $0x380, v1;
	v0 =	vadd.s32 v0, v63  }
0x3a: {  	v0 =	vor.u32 v1, v0  }
0x3b: {  	v0 =	vshrl.u32 v0, $0x3;
	_ =	sdelay $0x1  }
0x3c: {  	s31 =	sshll.u32 s18, $0xB  }
0x3d: {  	p2 =	por p1, p1;
	s18 =	sand.u32 $0x3FFFF800, s31  }
.Ltmp3:
0x3e: {  	s18 =	sadd.s32 s18, s17;
	(pc) =	sbr.rel @p2 .LBB2_3-.Ltmp3, $4  }
0x3f: {  	[tilespmem:s18], [sflag:$0x1] =	stream.indirect_vreg.gather [hbm:s4], $0x80, v0, vm0, $0x38;
	[tilespmem:$0x2850] =	vst v63  }
0x40: {  	s18 =	sadd.s32 $0x400, s18  }
0x41: {  	[tilespmem:s18], [sflag:$0x1] =	stream.indirect_vreg.gather [hbm:s4], $0x80, v0, vm1, $0x38;
	[tilespmem:$0x2850] =	vst v63  }
0x42: {  	p1 =	por $0x0, $0x0;
	s18 =	simm.s32 $0x1  }
0x43: {  	v0 =	vld.msk [tilespmem:s16+$0x20 ss:$0x1], $0xff;
	_ =	sdelay $0x4  }
0x44: {  	v1 =	vand.u32 $0x7, v0;
	v2 =	vshll.u32 v0, $0x4  }
0x45: {  	vm2 =	veq.s32 v0, $0x80000000;
	v61 =	vmul.u32 $0x3E800, v1;
	v62 =	vand.u32 $0x3FF80, v2  }
0x46: {  	v1 =	vsel vm2, $0xFFFFFF80, v62  }
0x47: {  	v0 =	vsel vm2, $0xFFFC1800, v61;
	v63 =	vand.u32 $0xFFFFFC00, v1  }
0x48: {  	v1 =	vand.u32 $0x380, v1;
	v0 =	vadd.s32 v0, v63  }
0x49: {  	v0 =	vor.u32 v1, v0  }
0x4a: {  	v0 =	vshrl.u32 v0, $0x3;
	_ =	sdelay $0x3  }
0x4b: {  	s15 =	sadd.s32 $0x1050, s15  }
0x4c: {  	[tilespmem:s15], [sflag:$0x1] =	stream.indirect_vreg.gather [hbm:s4], $0x80, v0, vm0, $0x38;
	[tilespmem:$0x2850] =	vst v63  }
0x4d: {  	s13 =	sshll.u32 s13, $0x4;
	_ =	swait.ge [sflag:s6], $0x1400  }
0x4e: {  	s16 =	sadd.s32 $0x400, s14;
	s13 =	sadd.s32 s13, s9;
	[sflag:s6] =	ssyncset.done $0x0  }
0x4f: {  	s17 =	sadd.s32 $0x0, s13;
	s15 =	simm.s32 $0x80;
	[sflag:s6] =	ssyncadd.s32 $0xFFFFEC00  }
.LBB2_5:
0x50: {  	[hbm:s17] =	stream.linear.scatter [tilespmem:s14], [sflag:$0x3], $0x400, $0x38;
	[tilespmem:$0x2850] =	vst v63  }
0x51: {  	s17 =	smov.u32 s15;
	s14 =	smov.u32 s16;
	p1 =	sne.s32 s15, $0x200  }
.Ltmp4:
0x52: {  	s15 =	sadd.s32 $0x80, s15;
	(pc) =	sbr.rel @p1 .LBB2_5-.Ltmp4, $2  }
0x53: {  	_ =	sdelay $0x2  }
0x54: {  	s16 =	sadd.s32 $0x400, s16;
	s17 =	sadd.s32 s17, s13  }
.Ltmp5:
0x55: {  	_ = 	snop;
	(pc) =	sbr.rel .LBB2_6-.Ltmp5, $1  }
0x56: {  	_ =	sdelay $0x3  }
.LBB2_8:
0x57: {  	_ =	sfence.sel $0x180000  }
0x58: {  	s1 =	simm.s32 $0x2;
	[bflag:$0x0] =	sbarrier.arrive $0xFFFF  }
0x59: {  	s30 =	simm.s32 $0x3;
	[sflag:s1] =	ssyncpa.u1 $0x1  }
0x5a: {  	s31 =	simm.s32 $0x1;
	[sflag:s30] =	ssyncpa.u1 $0x1  }
0x5b: {  	[sflag:s31] =	ssyncpa.u1 $0x1  }
0x5c: {  	p0 =	sne.s32 s0, $0x0;
	_ =	strace $0x90000047  }
0x5d: {  	s0 =	sadd.s32 @!p0 $0x100000, s2;
	[bflag:$0x2] =	sbarrier.arrive $0xFFFF  }
0x5e: {  	[sflag:s0] =	ssyncadd.tile.s32 @!p0 $0x1;
	_ =	shalt  }
.Lfunc_end2:
_tile_overlayer_lowered:
.L_overlay_start_2:
0x5f: {  	(tag) =	ssettag $0x2  }
0x60: {  	s0 =	rddreg [dreg:$0x0];
	s2 =	stileid.u32  }
0x61: {  	s1 =	rddreg [dreg:$0x1];
	p0 =	sne.s32 s2, $0x0  }
0x62: {  	s3 =	rddreg [dreg:$0x2];
	[bflag:$0x3] =	sbarrier.arrive $0xFFFF;
	s2 =	simm.s32 @!p0 $0x1C01  }
0x63: {  	[timem:s3], [sflag:s2] =	dma.local @!p0 [hbm:s0], s1  }
0x64: {  	s0 =	simm.s32 @!p0 $0x1  }
0x65: {  	_ =	swait.ge @!p0 [sflag:s0], s1  }
0x66: {  	s1 =	ssub.s32 @!p0 $0x0, s1;
	[sflag:s0] =	ssyncset.done @!p0 $0x0  }
0x67: {  	[sflag:s0] =	ssyncadd.s32 @!p0 s1  }
0x68: {  	[bflag:$0x3] =	sbarrier.arrive $0xFFFF  }
0x69: {  	_ =	shalt  }

// kernel: kernel.4.cloned.1.call-start
scs
__scs_entry_jumppad:
0x0: {  	(pc) =	sbr.rel $0x88, $3  }
0x1: {  	(tag) =	ssettag $0x0;
	lr =	simm.s32 $0x1  }
0x2: {  	[smem:$0x3F9E] =	sst lr;
	_ =	strace $0xD0000000  }
0x3: {  	_ = 	snop  }
0x4: {  	_ = 	snop  }
0x5: {  	_ = 	snop  }
0x6: {  	_ = 	snop  }
0x7: {  	_ = 	snop  }
__scs_overlays_trampoline_lowered:
0x8: {  	[smem:$0x3FAD] =	sst s0  }
0x9: {  	[smem:$0x3FAE] =	sst s1  }
0xa: {  	[smem:$0x3FAF] =	sst s2  }
0xb: {  	[smem:$0x3FB0] =	sst s3  }
0xc: {  	[smem:$0x3FB1] =	sst s4  }
0xd: {  	[smem:$0x3FB2] =	sst s5  }
0xe: {  	[smem:$0x3FB3] =	sst s6  }
0xf: {  	[smem:$0x3FB4] =	sst s7  }
0x10: {  	[smem:$0x3FB5] =	sst s8  }
0x11: {  	[smem:$0x3FB6] =	sst s9;
	s0 =	simm.s32 @!p0 $0x0  }
0x12: {  	s1 =	sld [smem:$0x3F9C];
	s0 =	simm.s32 @p0 $0x1  }
0x13: {  	[smem:$0x3FB7] =	sst s0;
	s0 =	simm.s32 @!p1 $0x0  }
0x14: {  	s2 =	sld [smem:$0x3F9B];
	s0 =	simm.s32 @p1 $0x1  }
0x15: {  	[smem:$0x3FB8] =	sst s0;
	s0 =	simm.s32 @!p2 $0x0  }
0x16: {  	s3 =	sld [smem:$0x3FDB];
	s0 =	simm.s32 @p2 $0x1  }
0x17: {  	s4 =	simm.s32 $0x1BF5;
	[smem:$0x3FBA] =	sst s0  }
0x18: {  	s0 =	sld [smem:$0x3F9D];
	_ =	swait.ge [sflag:s4], $0x0  }
0x19: {  	s7 =	sld [smem:$0x3F9E]  }
0x1a: {  	s8 =	sadd.s32 $0xFFFFE003, lr  }
0x1b: {  	s9 =	sadd.s32 $0xFFFFFEF7, lr;
	s5 =	simm.s32 $0xFFFFFFFF;
	p2 =	slt.u32 s8, $0xFFFFF086  }
0x1c: {  	p1 =	slt.u32 s9, $0xF7A;
	s5 =	simm.s32 @!p2 $0x0  }
0x1d: {  	s5 =	simm.s32 @p1 $0x1;
	p0 =	seq.s32 s7, s2  }
0x1e: {  	s7 =	smul.u32 @!p0 $0xF7A, s2;
	p2 =	seq.s32 @!p0 s5, $0x0  }
0x1f: {  	s9 =	smul.u32 $0xF7A, s1;
	s8 =	simm.s32 @!p0 $0x1BF5;
	p2 =	por !p2, p0  }
0x20: {  	[sflag:s8] =	ssyncset.s32 @!p0 $0xFFFFF086;
	s6 =	sadd.s32 @!p0 s3, s7;
	s7 =	simm.s32 @!p0 $0x108  }
0x21: {  	s3 =	sadd.s32 s3, s9;
	s6 =	sadd.s32 @!p0 $0x88, s6;
	s7 =	simm.s32 @p2 $0x1082  }
0x22: {  	[simem:s7], [sflag:s8] =	dma.local @!p0 [hbm:s6], $0xF7A  }
0x23: {  	s9 =	sor.u32 $0xD0000000, s2;
	s6 =	simm.s32 $0x108;
	_ =	swait.ge @!p0 [sflag:s8], $0x0  }
0x24: {  	s3 =	sadd.s32 $0x88, s3;
	s6 =	simm.s32 @!p1 $0x1082;
	[sflag:s4] =	ssyncset.s32 $0xFFFFF086  }
0x25: {  	[simem:s6], [sflag:s4] =	dma.local [hbm:s3], $0xF7A  }
0x26: {  	[smem:$0x3F9E] =	sst s1;
	(tag) =	ssettag s2;
	_ =	strace s9  }
0x27: {  	s1 =	sld [smem:$0x3FAE]  }
0x28: {  	s2 =	sld [smem:$0x3FAF]  }
0x29: {  	s4 =	sld [smem:$0x3FB1]  }
0x2a: {  	p0 =	seq.s32 s5, $0x0;
	s5 =	sld [smem:$0x3FB2]  }
0x2b: {  	s6 =	sld [smem:$0x3FB3]  }
0x2c: {  	s7 =	sld [smem:$0x3FB4]  }
0x2d: {  	s3 =	simm.s32 $0x108;
	s8 =	sld [smem:$0x3FB5]  }
0x2e: {  	s3 =	simm.s32 @!p0 $0x1082;
	s9 =	sld [smem:$0x3FB6]  }
0x2f: {  	lr =	sadd.s32 s0, s3;
	s0 =	sld [smem:$0x3FAD]  }
0x30: {  	s3 =	sld [smem:$0x3FB0]  }
0x31: {  	[smem:$0x3FB9] =	sst s10  }
0x32: {  	s10 =	sld [smem:$0x3FB7];
	_ =	sdelay $0x3  }
0x33: {  	p0 =	seq.s32 s10, $0x1;
	s10 =	sld [smem:$0x3FB9];
	_ =	sdelay $0x3  }
0x34: {  	[smem:$0x3FB9] =	sst s10  }
0x35: {  	s10 =	sld [smem:$0x3FB8];
	_ =	sdelay $0x3  }
0x36: {  	p1 =	seq.s32 s10, $0x1;
	s10 =	sld [smem:$0x3FB9];
	_ =	sdelay $0x3  }
0x37: {  	[smem:$0x3FB9] =	sst s10  }
0x38: {  	s10 =	sld [smem:$0x3FBA]  }
0x39: {  	_ = 	snop;
	(pc) =	sbr.ind lr, $3  }
0x3a: {  	_ = 	snop  }
0x3b: {  	_ = 	snop  }
0x3c: {  	p2 =	seq.s32 s10, $0x1;
	s10 =	sld [smem:$0x3FB9]  }
0x3d: {  	_ =	shalt  }
0x3e: {  	_ =	shalt  }
0x3f: {  	_ =	shalt  }
0x40: {  	_ =	shalt  }
0x41: {  	_ =	shalt  }
0x42: {  	_ =	shalt  }
0x43: {  	_ =	shalt  }
0x44: {  	_ =	shalt  }
0x45: {  	_ =	shalt  }
0x46: {  	_ =	shalt  }
0x47: {  	_ =	shalt  }
0x48: {  	_ =	shalt  }
0x49: {  	_ =	shalt  }
0x4a: {  	_ =	shalt  }
0x4b: {  	_ =	shalt  }
0x4c: {  	_ =	shalt  }
0x4d: {  	_ =	shalt  }
0x4e: {  	_ =	shalt  }
0x4f: {  	_ =	shalt  }
0x50: {  	_ =	shalt  }
0x51: {  	_ =	shalt  }
0x52: {  	_ =	shalt  }
0x53: {  	_ =	shalt  }
0x54: {  	_ =	shalt  }
0x55: {  	_ =	shalt  }
0x56: {  	_ =	shalt  }
0x57: {  	_ =	shalt  }
0x58: {  	_ =	shalt  }
0x59: {  	_ =	shalt  }
0x5a: {  	_ =	shalt  }
0x5b: {  	_ =	shalt  }
0x5c: {  	_ =	shalt  }
0x5d: {  	_ =	shalt  }
0x5e: {  	_ =	shalt  }
0x5f: {  	_ =	shalt  }
0x60: {  	_ =	shalt  }
0x61: {  	_ =	shalt  }
0x62: {  	_ =	shalt  }
0x63: {  	_ =	shalt  }
0x64: {  	_ =	shalt  }
0x65: {  	_ =	shalt  }
0x66: {  	_ =	shalt  }
0x67: {  	_ =	shalt  }
0x68: {  	_ =	shalt  }
0x69: {  	_ =	shalt  }
0x6a: {  	_ =	shalt  }
0x6b: {  	_ =	shalt  }
0x6c: {  	_ =	shalt  }
0x6d: {  	_ =	shalt  }
0x6e: {  	_ =	shalt  }
0x6f: {  	_ =	shalt  }
0x70: {  	_ =	shalt  }
0x71: {  	_ =	shalt  }
0x72: {  	_ =	shalt  }
0x73: {  	_ =	shalt  }
0x74: {  	_ =	shalt  }
0x75: {  	_ =	shalt  }
0x76: {  	_ =	shalt  }
0x77: {  	_ =	shalt  }
0x78: {  	_ =	shalt  }
0x79: {  	_ =	shalt  }
0x7a: {  	_ =	shalt  }
0x7b: {  	_ =	shalt  }
0x7c: {  	_ =	shalt  }
0x7d: {  	_ =	shalt  }
0x7e: {  	_ =	shalt  }
0x7f: {  	_ =	shalt  }
0x80: {  	_ =	shalt  }
0x81: {  	_ =	shalt  }
0x82: {  	_ =	shalt  }
0x83: {  	_ =	shalt  }
0x84: {  	_ =	shalt  }
0x85: {  	_ =	shalt  }
0x86: {  	_ =	shalt  }
0x87: {  	_ =	shalt  }
.Lfunc_end0:
.L_simem_size_0:
called_computation.5_lowered:
.L_overlay_start_0:
0x88: {  	s2 =	sld [smem:$0x3FD9]  }
0x89: {  	s3 =	sld [smem:$0x3FFE];
	_ =	sdelay $0x1  }
0x8a: {  	s1 =	srdreg.scid  }
0x8b: {  	s0 =	sand.u32 $0x1, s1  }
0x8c: {  	s14 =	sshll.u32 s0, $0xA;
	s2 =	sadd.s32 s3, s2  }
0x8d: {  	s2 =	sadd.s32 s2, s14  }
0x8e: {  	[smem:$0x3FC5] =	sst s2  }
0x8f: {  	_ = 	snop  }
0x90: {  	s2 =	sld [smem:$0x3FD0];
	_ =	sdelay $0x2  }
0x91: {  	s15 =	simm.s32 $0xA;
	s4 =	simm.s32 $0x10  }
0x92: {  	[smem:s4], [sflag:s15] =	dma.local [hbm:s2], $0x1  }
0x93: {  	_ =	swait.eq [sflag:s15], $0x1  }
0x94: {  	[sflag:s15] =	ssyncset.done $0x0  }
0x95: {  	[sflag:s15] =	ssyncadd.s32 $0xFFFFFFFF  }
0x96: {  	s16 =	sld [smem:$0x11];
	(tm) =	ssettm $0x1  }
0x97: {  	s17 =	sld [smem:$0x3FFB];
	_ =	sdelay $0x3  }
0x98: {  	_ =	strace s17  }
0x99: {  	s3 =	sld [smem:$0x3FFC];
	_ =	sdelay $0x3  }
0x9a: {  	_ =	strace s3  }
0x9b: {  	s3 =	sld [smem:$0x3FFD];
	_ =	sdelay $0x3  }
0x9c: {  	_ =	strace s3  }
0x9d: {  	_ =	strace $0x8FFFFFFF  }
0x9e: {  	s18 =	sld [smem:$0x3FDB];
	_ =	sdelay $0x1  }
0x9f: {  	s19 =	simm.s32 $_scs_section_size  }
0xa0: {  	s5 =	simm.s32 $_size__tile_overlayer_lowered;
	s6 =	simm.s32 $_tile_overlayer_lowered  }
0xa1: {  	s22 =	simm.s32 $0x1BFF;
	s21 =	sshll.u32 s6, $0x1;
	s3 =	sadd.s32 s19, s18  }
0xa2: {  	s7 =	simm.s32 $0x0;
	s20 =	sshll.u32 s5, $0x1;
	s5 =	sadd.s32 s21, s3  }
0xa3: {  	[timem:s7], [sflag:s22] =	dma.local [hbm:s5], s20  }
0xa4: {  	_ =	swait.ge [sflag:s22], s20  }
0xa5: {  	s4 =	ssub.s32 $0x0, s20;
	[sflag:s22] =	ssyncset.done $0x0  }
0xa6: {  	[sflag:s22] =	ssyncadd.s32 s4;
	_ =	sdelay $0x1  }
0xa7: {  	s23 =	simm.s32 $0x1B8B  }
0xa8: {  	_ =	swait.ge [sflag:s23], $0x1  }
0xa9: {  	[sflag:s23] =	ssyncset.done $0x0  }
0xaa: {  	s25 =	simm.s32 $0x1B8E;
	s24 =	sld [smem:$0x3FFE];
	[sflag:s23] =	ssyncadd.s32 $0xFFFFFFFF  }
0xab: {  	s26 =	simm.s32 $execute0_lowered;
	[smem:$0x3FD2] =	sst s25  }
0xac: {  	s5 =	sshll.u32 s26, $0x1;
	_ =	strace $0x8000004C;
	[dreg:$0x1] =	wrdreg $0xFFFFFFFF  }
0xad: {  	s28 =	simm.s32 $_size_execute0_lowered;
	s3 =	sadd.s32 s3, s5;
	[dreg:$0x0] =	wrdreg $0x0  }
0xae: {  	s5 =	sshll.u32 s28, $0x1;
	[dreg:$0x2] =	wrdreg s3  }
0xaf: {  	[dreg:$0x3] =	wrdreg s5  }
0xb0: {  	[dreg:$0x4] =	wrdreg $0xC0  }
0xb1: {  	_ =	task [dreg:s7], $0x5FFFF  }
0xb2: {  	[dreg:$0x1] =	wrdreg $0xFFFFFFFF  }
0xb3: {  	[dreg:$0x0] =	wrdreg $0x60  }
0xb4: {  	[dreg:$0x2] =	wrdreg s24  }
0xb5: {  	[dreg:$0x3] =	wrdreg s16  }
0xb6: {  	[dreg:$0x4] =	wrdreg $0x9  }
0xb7: {  	_ =	task.clear_ibuf [dreg:s7], $0x5FFFF;
	_ =	strace $0x9000004C  }
0xb8: {  	s29 =	simm.s32 $0x9;
	_ =	strace $0x8000004E  }
0xb9: {  	_ =	swait.ge [sflag:s29], $0x1  }
0xba: {  	[sflag:s29] =	ssyncadd.s32 $0xFFFFFFFF  }
0xbb: {  	_ =	strace $0x9000004E  }
0xbc: {  	_ =	sfence  }
0xbd: {  	s30 =	sld [smem:$0x0];
	_ =	sdelay $0x2  }
0xbe: {  	s31 =	sshll.u32 s1, $0xD;
	s1 =	sshrl.u32 s1, $0x2  }
0xbf: {  	s3 =	sand.u32 $0x4000, s31;
	s1 =	sadd.s32 s1, s30  }
0xc0: {  	s0 =	sor.u32 s3, s0;
	s1 =	sshll.u32 s1, $0x11  }
0xc1: {  	s0 =	sor.u32 s1, s0  }
0xc2: {  	s0 =	sadd.s32 $0x8F2B, s0  }
0xc3: {  	[sflag:s0] =	ssyncadd.remote.s32 $0x1  }
0xc4: {  	_ =	sfence.sel $0xFFFF  }
0xc5: {  	[dreg:$0x0] =	wrdreg $0xFFFFFFFF;
	(pc) =	sbr.abs _section_cstart, $3  }
0xc6: {  	[dreg:$0x1] =	wrdreg $0xFFFFFFFF  }
0xc7: {  	_ =	task.clear_ibuf [dreg:s7], $0x2FFFF;
	_ =	strace $0x9FFFFFFF  }
0xc8: {  	(tm) =	ssettm $0x7FFFFFFF  }
0xc9: {  	_ =	shalt  }
tec
execute0_lowered:
.L_overlay_start_1:
0x0: {  	(tag) =	ssettag $0x1  }
0x1: {  	s1 =	srdreg.scid;
	s0 =	stileid.u32  }
0x2: {  	s9 =	rddreg [dreg:$0x0];
	s6 =	sand.u32 $0x1, s1;
	s30 =	sshll.u32 s0, $0x1  }
0x3: {  	s3 =	rddreg [dreg:$0x1];
	s2 =	simm.s32 $0x0;
	s10 =	sor.u32 s6, s30  }
0x4: {  	[smem:$0x7FF] =	sst s2;
	s4 =	smul.u32 $0xA, s10  }
0x5: {  	s7 =	simm.s32 $0x80;
	s1 =	rddreg [dreg:$0x2];
	_ =	strace $0x8000004D  }
0x6: {  	s11 =	ssub.s32 $0x2, s6;
	s4 =	sadd.s32 s3, s4;
	s3 =	simm.s32 $0x2  }
0x7: {  	[tilespmem:s2], [sflag:$0x2] =	stream.linear.gather [hbm4b:s4+s2], $0x50, $0x38;
	[tilespmem:$0x2880] =	vst v63  }
0x8: {  	s8 =	simm.s32 $0x1;
	s12 =	sshrl.u32 s11, $0x1;
	_ =	swait.ge [sflag:s3], $0x50  }
0x9: {  	s5 =	sadd.s32 $0x4E2000, s9;
	s11 =	ssub.s32 s11, s12;
	[sflag:s3] =	ssyncset.done $0x0  }
0xa: {  	s6 =	simm.s32 $0x50;
	s31 =	smax.u32 s11, $0x1;
	[sflag:s3] =	ssyncadd.s32 $0xFFFFFFB0  }
0xb: {  	[tilespmem:s7], [sflag:$0x1] =	stream.indirect.gather [hbm4b:s5+s6], $0x80, s2, s6, $0xb8;
	[tilespmem:$0x2880] =	vst v63  }
0xc: {  	s10 =	smul.u32 $0x500, s10;
	p0 =	sne.s32 s31, $0x1;
	_ =	swait.ge [sflag:s8], $0x2800  }
.Ltmp0:
0xd: {  	[sflag:s8] =	ssyncset.done $0x0;
	(pc) =	sbr.rel @!p0 .LBB2_2-.Ltmp0, $4  }
0xe: {  	s9 =	sadd.s32 s9, s10;
	[sflag:s8] =	ssyncadd.s32 $0xFFFFD800  }
0xf: {  	[hbm4b:s9+s2] =	stream.linear.scatter [tilespmem:s7], [sflag:$0x2], $0x2800, $0x38;
	[tilespmem:$0x2880] =	vst v63  }
0x10: {  	_ =	swait.ge [sflag:s3], $0x2800  }
0x11: {  	s10 =	sadd.s32 $0xFFFFFFFF, s31;
	[sflag:s3] =	ssyncset.done $0x0  }
.LBB2_1:
0x12: {  	p0 =	sne.s32 s10, $0x1;
	s10 =	sadd.s32 $0xFFFFFFFF, s10;
	[sflag:s3] =	ssyncadd.s32 $0xFFFFD800  }
0x13: {  	[tilespmem:s2], [sflag:$0x2] =	stream.linear.gather [hbm4b:s4+s2], $0x50, $0x38;
	[tilespmem:$0x2880] =	vst v63  }
0x14: {  	_ =	swait.ge [sflag:s3], $0x50  }
0x15: {  	[sflag:s3] =	ssyncset.done $0x0  }
0x16: {  	[sflag:s3] =	ssyncadd.s32 $0xFFFFFFB0  }
0x17: {  	[tilespmem:s7], [sflag:$0x1] =	stream.indirect.gather [hbm4b:s5+s6], $0x80, s2, s6, $0xb8;
	[tilespmem:$0x2880] =	vst v63  }
0x18: {  	_ =	swait.ge [sflag:s8], $0x2800  }
.Ltmp1:
0x19: {  	[sflag:s8] =	ssyncset.done $0x0;
	(pc) =	sbr.rel @p0 .LBB2_1-.Ltmp1, $4  }
0x1a: {  	[sflag:s8] =	ssyncadd.s32 $0xFFFFD800  }
0x1b: {  	[hbm4b:s9+s2] =	stream.linear.scatter [tilespmem:s7], [sflag:$0x2], $0x2800, $0x38;
	[tilespmem:$0x2880] =	vst v63  }
0x1c: {  	_ =	swait.ge [sflag:s3], $0x2800  }
0x1d: {  	[sflag:s3] =	ssyncset.done $0x0  }
.LBB2_2:
0x1e: {  	[sflag:s3] =	ssyncadd.s32 $0xFFFFD800  }
0x1f: {  	_ =	sfence.sel $0x180000  }
0x20: {  	[bflag:$0x0] =	sbarrier.arrive $0xFFFF  }
0x21: {  	p0 =	sne.s32 s0, $0x0;
	_ =	strace $0x9000004D  }
0x22: {  	s0 =	sadd.s32 @!p0 $0x100000, s1;
	[bflag:$0x2] =	sbarrier.arrive $0xFFFF  }
0x23: {  	[sflag:s0] =	ssyncadd.tile.s32 @!p0 $0x1;
	_ =	shalt  }
.Lfunc_end2:
_tile_overlayer_lowered:
.L_overlay_start_2:
0x24: {  	(tag) =	ssettag $0x2  }
0x25: {  	s0 =	rddreg [dreg:$0x0];
	s2 =	stileid.u32  }
0x26: {  	s1 =	rddreg [dreg:$0x1];
	p0 =	sne.s32 s2, $0x0  }
0x27: {  	s3 =	rddreg [dreg:$0x2];
	[bflag:$0x3] =	sbarrier.arrive $0xFFFF;
	s2 =	simm.s32 @!p0 $0x1C02  }
0x28: {  	[timem:s3], [sflag:s2] =	dma.local @!p0 [hbm:s0], s1  }
0x29: {  	s0 =	simm.s32 @!p0 $0x2  }
0x2a: {  	_ =	swait.ge @!p0 [sflag:s0], s1  }
0x2b: {  	s1 =	ssub.s32 @!p0 $0x0, s1;
	[sflag:s0] =	ssyncset.done @!p0 $0x0  }
0x2c: {  	[sflag:s0] =	ssyncadd.s32 @!p0 s1  }
0x2d: {  	[bflag:$0x3] =	sbarrier.arrive $0xFFFF  }
0x2e: {  	_ =	shalt  }

</sc_bundles>
